<compile_context>
chip_gen: v7x
topology: tpu7x:2x2x1
jax: 0.10.2.dev20260603
libtpu: 0.0.44.dev20260713+nightly
codegen_flags: <defaults>
</compile_context>

<pallas_src>
import functools

import jax
import jax.numpy as jnp
from jax import lax
from jax.experimental import pallas as pl
from jax.experimental.pallas import tpu as pltpu
from jax.experimental.pallas import tpu_sc as plsc

_M0 = 0.3
_K = 308
_N_TILE = 128


def _dtm_body(x_ref, g_ref, o_ref, *, k, weight_bound, n_iters):
    x = x_ref[0]
    x0 = x[:, 0:1]
    x1 = x[:, 1:2]
    g0 = g_ref[0:1, :]
    g1 = g_ref[1:2, :]
    dx = x0 - g0
    dy = x1 - g1
    d2 = dx * dx + dy * dy
    d2i = jax.lax.bitcast_convert_type(d2, jnp.int32)

    lo0 = jax.lax.bitcast_convert_type(
        jnp.min(d2, axis=0, keepdims=True), jnp.int32)
    hi0 = jax.lax.bitcast_convert_type(
        jnp.max(d2, axis=0, keepdims=True), jnp.int32)

    def step(_, carry):
        lo, hi = carry
        mid = lo + ((hi - lo) >> 1)
        cnt = jnp.sum((d2i <= mid).astype(jnp.int32), axis=0, keepdims=True)
        ge = cnt >= k
        return jnp.where(ge, lo, mid + 1), jnp.where(ge, mid, hi)

    _lo, hi = jax.lax.fori_loop(0, n_iters, step, (lo0, hi0))
    t = jax.lax.bitcast_convert_type(hi, jnp.float32)

    less = d2 < t
    cnt_less = jnp.sum(less.astype(jnp.float32), axis=0, keepdims=True)
    sum_less = jnp.sum(jnp.where(less, d2, 0.0), axis=0, keepdims=True)
    raw = jnp.maximum(sum_less + (weight_bound - cnt_less) * t, 0.0)
    dtm = jnp.sqrt(raw / weight_bound)
    o_ref[0] = dtm


def _tc_dtm(inputs, grid_pts):
    B, M, d = inputs.shape
    N = grid_pts.shape[0]
    weight_bound = _M0 * M
    n_pad = pl.cdiv(N, _N_TILE) * _N_TILE

    gT = jnp.zeros((8, n_pad), jnp.float32)
    gT = gT.at[0, :N].set(grid_pts[:, 0]).at[1, :N].set(grid_pts[:, 1])

    body = functools.partial(
        _dtm_body, k=_K, weight_bound=weight_bound, n_iters=12)
    out = pl.pallas_call(
        body,
        grid=(B, n_pad // _N_TILE),
        in_specs=[
            pl.BlockSpec((1, M, d), lambda b, j: (b, 0, 0)),
            pl.BlockSpec((8, _N_TILE), lambda b, j: (0, j)),
        ],
        out_specs=pl.BlockSpec((1, 1, _N_TILE), lambda b, j: (b, 0, j)),
        out_shape=jax.ShapeDtypeStruct((B, 1, n_pad), jnp.float32),
    )(inputs, gT)
    return out[:, 0, :N]



_L = 16
_NW = 32
_US = 16


def _sc_dtm(xs, ys, gx, gy, *, n_chunks_pb, chunks_per_w):
    B, M = xs.shape
    NP = gx.shape[0]
    k = _K
    wb = _M0 * M
    mesh = plsc.VectorSubcoreMesh(core_axis_name="c", subcore_axis_name="s")

    @functools.partial(
        pl.kernel,
        mesh=mesh,
        out_type=jax.ShapeDtypeStruct((B * NP,), jnp.float32),
        scratch_types=[
            pltpu.VMEM((M,), jnp.float32),
            pltpu.VMEM((M,), jnp.float32),
            pltpu.VMEM((NP,), jnp.float32),
            pltpu.VMEM((NP,), jnp.float32),
            pltpu.VMEM((M * _L,), jnp.float32),
            pltpu.VMEM((chunks_per_w * _L,), jnp.float32),
        ],
    )
    def sc_kernel(xs_h, ys_h, gx_h, gy_h, out_h,
                  x_v, y_v, gx_v, gy_v, d_v, o_v):
        wid = lax.axis_index("s") * 2 + lax.axis_index("c")
        b = wid // 2
        cb0 = (wid - 2 * b) * chunks_per_w
        pltpu.sync_copy(gx_h, gx_v)
        pltpu.sync_copy(gy_h, gy_v)
        pltpu.sync_copy(xs_h.at[b], x_v)
        pltpu.sync_copy(ys_h.at[b], y_v)

        def chunk_body(i, _):
            cb = cb0 + i
            gxc = gx_v[pl.ds(cb * _L, _L)]
            gyc = gy_v[pl.ds(cb * _L, _L)]

            def dist_body(jj, carry):
                mn, mx = carry
                base = jj * _L
                xc = x_v[pl.ds(base, _L)]
                yc = y_v[pl.ds(base, _L)]
                for u in range(_L):
                    idx = jnp.full((_L,), u, jnp.int32)
                    xj = xc.at[idx].get(mode="promise_in_bounds")
                    yj = yc.at[idx].get(mode="promise_in_bounds")
                    dx = xj - gxc
                    dy = yj - gyc
                    d2 = dx * dx + dy * dy
                    d_v[pl.ds((base + u) * _L, _L)] = d2
                    mn = jnp.minimum(mn, d2)
                    mx = jnp.maximum(mx, d2)
                return mn, mx
            mn, mx = lax.fori_loop(
                0, M // _L, dist_body,
                (jnp.full((_L,), jnp.inf, jnp.float32),
                 jnp.zeros((_L,), jnp.float32)))

            def search_step(s, carry):
                lo, hi = carry
                mid = lo + lax.shift_right_logical(hi - lo, 1)

                def cnt_body(jj, cnt):
                    for u in range(_US):
                        j = jj * _US + u
                        di = lax.bitcast_convert_type(
                            d_v[pl.ds(j * _L, _L)], jnp.int32)
                        cnt = cnt + jnp.where(di <= mid, 1, 0)
                    return cnt
                cnt = lax.fori_loop(
                    0, M // _US, cnt_body, jnp.zeros((_L,), jnp.int32))
                ge = cnt >= k
                return jnp.where(ge, lo, mid + 1), jnp.where(ge, mid, hi)

            _lo, hi = lax.fori_loop(
                0, 12, search_step,
                (lax.bitcast_convert_type(mn, jnp.int32),
                 lax.bitcast_convert_type(mx, jnp.int32)))
            t = lax.bitcast_convert_type(hi, jnp.float32)

            def fin_body(jj, carry):
                cl, sl = carry
                for u in range(_US):
                    j = jj * _US + u
                    dvec = d_v[pl.ds(j * _L, _L)]
                    less = dvec < t
                    cl = cl + jnp.where(less, 1.0, 0.0)
                    sl = sl + jnp.where(less, dvec, 0.0)
                return cl, sl
            cl, sl = lax.fori_loop(
                0, M // _US, fin_body,
                (jnp.zeros((_L,), jnp.float32), jnp.zeros((_L,), jnp.float32)))

            z = jnp.maximum((sl + (wb - cl) * t) * (1.0 / wb), 0.0)
            zb = lax.bitcast_convert_type(z, jnp.int32)
            y = lax.bitcast_convert_type(
                0x5F3759DF - lax.shift_right_logical(zb, 1), jnp.float32)
            for _r in range(3):
                y = y * (1.5 - 0.5 * z * y * y)
            o_v[pl.ds(pl.multiple_of(i * _L, 8), _L)] = z * y
            return 0

        lax.fori_loop(0, chunks_per_w, chunk_body, 0)
        pltpu.sync_copy(
            o_v, out_h.at[pl.ds(b * NP + cb0 * _L, chunks_per_w * _L)])

    return sc_kernel(xs, ys, gx, gy)


def _sc_dtm_full(inputs, grid_pts):
    B, M, _d = inputs.shape
    N = grid_pts.shape[0]
    n_chunks_pb = pl.cdiv(pl.cdiv(N, _L) * B, _NW) * _NW // B
    chunks_per_w = B * n_chunks_pb // _NW
    NP = n_chunks_pb * _L
    xs = inputs[:, :, 0]
    ys = inputs[:, :, 1]
    gx = jnp.zeros((NP,), jnp.float32).at[:N].set(grid_pts[:, 0])
    gy = jnp.zeros((NP,), jnp.float32).at[:N].set(grid_pts[:, 1])
    out = _sc_dtm(xs, ys, gx, gy,
                  n_chunks_pb=n_chunks_pb, chunks_per_w=chunks_per_w)
    return out.reshape(B, NP)[:, :N]


_SC_COLS = 560


def kernel(inputs, grid):
    out_sc = _sc_dtm_full(inputs, grid[:_SC_COLS])
    out_tc = _tc_dtm(inputs, grid[_SC_COLS:])
    return jnp.concatenate([out_sc, out_tc], axis=1)

# --- scband reference (transcript-rebuilt; emitter-appended) ---
"""Pipeline reference for scband-dtmlayer-63531156242953 (READ-ONLY COPY).

The authoritative reference and input builder live on the scoring server;
editing this copy changes nothing except your own understanding.
"""

import jax, jax.numpy as jnp
import numpy as np

M0 = 0.3
BY = 0.0625


def _make_grid():
    ax = jnp.arange(-1.0, 1.0 + BY, BY, dtype=jnp.float32)  # 33 exact points
    g = jnp.stack(jnp.meshgrid(ax, ax, indexing='ij'), 0)   # [2, 33, 33]
    # tf.transpose with no perm reverses dims: [2,33,33] -> [33,33,2]
    grid = jnp.transpose(g, (2, 1, 0)).reshape(-1, 2)
    return grid


def setup_inputs(seed: int = 0) -> dict:
    key = jax.random.key(seed)
    inputs = jax.random.normal(key, (16, 1024, 2), dtype=jnp.float32)
    grid = _make_grid()
    return {"inputs": inputs, "grid": grid}


def reference(inputs, grid):
    # DTMLayer.call with r=2.0, m0=0.3
    M = inputs.shape[-2]
    d = inputs.shape[-1]
    N = grid.shape[0]
    weightBound = M0 * M                      # 307.2
    weightSumTemp = float(np.ceil(weightBound))  # 308.0
    k = int(weightSumTemp)                    # 308
    index_int = k - 1

    # tf_knn, r == 2.0 branch
    Xr = inputs.reshape(-1, d)
    XY = jnp.einsum('ik,jk->ij', Xr, grid)
    X2 = jnp.sum(jnp.square(Xr), axis=1, keepdims=True)
    Y2 = jnp.sum(jnp.square(grid), axis=1)[None, :]
    neg_dist = -jnp.sqrt(jnp.maximum(X2 + Y2 - 2.0 * XY, 0.0))
    neg_dist = neg_dist.reshape(inputs.shape[:-1] + (N,))   # [..., M, N]
    neg_dist = jnp.swapaxes(neg_dist, -1, -2)               # [..., N, M]
    top_vals, knnIndex = jax.lax.top_k(neg_dist, k)
    knnDistance = -top_vals                                  # [..., N, k]

    # tf_dtmFromKnnDistance, r == 2.0 branch
    distanceTemp = jnp.square(knnDistance)
    cumDistance = jnp.cumsum(distanceTemp, axis=-1)
    dtmValue = cumDistance[..., index_int] + distanceTemp[..., index_int] * (weightBound - weightSumTemp)
    dtmValue = jnp.sqrt(dtmValue / weightBound)
    return dtmValue

if __name__ == "__main__":
    import jax
    _d = setup_inputs()
    print(jax.jit(kernel)(*tuple(_d.values())))

</pallas_src>

<mosaic_0001>
#map = affine_map<(d0, d1) -> (0, 0)>
#map1 = affine_map<(d0, d1) -> (0)>
module attributes {stable_mosaic.version = 14 : i64} {
  func.func @sc_kernel(%arg0: i32, %arg1: i32, %arg2: memref<16x1024xf32, #tpu.memory_space<hbm>>, %arg3: memref<16x1024xf32, #tpu.memory_space<hbm>>, %arg4: memref<576xf32, #tpu.memory_space<hbm>>, %arg5: memref<576xf32, #tpu.memory_space<hbm>>, %arg6: memref<9216xf32, #tpu.memory_space<hbm>>, %arg7: memref<1024xf32, #tpu.memory_space<vmem>>, %arg8: memref<1024xf32, #tpu.memory_space<vmem>>, %arg9: memref<576xf32, #tpu.memory_space<vmem>>, %arg10: memref<576xf32, #tpu.memory_space<vmem>>, %arg11: memref<16384xf32, #tpu.memory_space<vmem>>, %arg12: memref<288xf32, #tpu.memory_space<vmem>>) attributes {dimension_semantics = [#tpu.dimension_semantics<core_parallel>, #tpu.dimension_semantics<subcore_parallel>], iteration_bounds = array<i64: 2, 16>, scalar_prefetch = 0 : i64, scratch_operands = 6 : i64, tpu.core_type = #tpu.core_type<sc_vector_subcore>, window_params = [{transform_indices = #map}, {transform_indices = #map}, {transform_indices = #map1}, {transform_indices = #map1}, {transform_indices = #map1}]} {
    %mul3A = arith.constant 2 : i32
    %mul3A_0 = arith.muli %arg1, %mul3A : i32
    %add3A = arith.addi %mul3A_0, %arg0 : i32
    %jit3A = arith.constant 2 : i32
    %div3A = arith.divsi %add3A, %jit3A : i32
    %sign3A = arith.constant 0 : i32
    %sign3A_1 = arith.cmpi sgt, %add3A, %sign3A : i32
    %sign3A_2 = arith.extui %sign3A_1 : i1 to i32
    %sign3A_3 = arith.constant 0 : i32
    %sign3A_4 = arith.cmpi slt, %add3A, %sign3A_3 : i32
    %sign3A_5 = arith.extui %sign3A_4 : i1 to i32
    %sign3A_6 = arith.subi %sign3A_2, %sign3A_5 : i32
    %sign3A_7 = arith.constant 0 : i32
    %sign3A_8 = arith.cmpi sgt, %jit3A, %sign3A_7 : i32
    %sign3A_9 = arith.extui %sign3A_8 : i1 to i32
    %sign3A_10 = arith.constant 0 : i32
    %sign3A_11 = arith.cmpi slt, %jit3A, %sign3A_10 : i32
    %sign3A_12 = arith.extui %sign3A_11 : i1 to i32
    %sign3A_13 = arith.subi %sign3A_9, %sign3A_12 : i32
    %ne3A = arith.cmpi ne, %sign3A_6, %sign3A_13 : i32
    %rem3A = arith.remsi %add3A, %jit3A : i32
    %ne3A_14 = arith.constant 0 : i32
    %ne3A_15 = arith.cmpi ne, %rem3A, %ne3A_14 : i32
    %and3A = arith.andi %ne3A, %ne3A_15 : i1
    %sub3A = arith.constant 1 : i32
    %sub3A_16 = arith.subi %div3A, %sub3A : i32
    %select_n3A = arith.select %and3A, %sub3A_16, %div3A : i32
    %mul3A_17 = arith.constant 2 : i32
    %mul3A_18 = arith.muli %mul3A_17, %select_n3A : i32
    %sub3A_19 = arith.subi %add3A, %mul3A_18 : i32
    %mul3A_20 = arith.constant 18 : i32
    %mul3A_21 = arith.muli %sub3A_19, %mul3A_20 : i32
    "tpu.region"() ({
      %run_scoped3A = tpu.sem_alloc : memref<!tpu.dma_semaphore, #tpu.memory_space<semaphore_mem>>
      tpu.enqueue_dma source(%arg4 : memref<576xf32, #tpu.memory_space<hbm>>) target(%arg9 : memref<576xf32, #tpu.memory_space<vmem>>) target_semaphore(%run_scoped3A : memref<!tpu.dma_semaphore, #tpu.memory_space<semaphore_mem>>)
      tpu.wait_dma2 semaphore(%run_scoped3A : memref<!tpu.dma_semaphore, #tpu.memory_space<semaphore_mem>>) src(%arg4 : memref<576xf32, #tpu.memory_space<hbm>>) dst(%arg9 : memref<576xf32, #tpu.memory_space<vmem>>)
      tpu.yield
    }) : () -> ()
    "tpu.region"() ({
      %run_scoped3A = tpu.sem_alloc : memref<!tpu.dma_semaphore, #tpu.memory_space<semaphore_mem>>
      tpu.enqueue_dma source(%arg5 : memref<576xf32, #tpu.memory_space<hbm>>) target(%arg10 : memref<576xf32, #tpu.memory_space<vmem>>) target_semaphore(%run_scoped3A : memref<!tpu.dma_semaphore, #tpu.memory_space<semaphore_mem>>)
      tpu.wait_dma2 semaphore(%run_scoped3A : memref<!tpu.dma_semaphore, #tpu.memory_space<semaphore_mem>>) src(%arg5 : memref<576xf32, #tpu.memory_space<hbm>>) dst(%arg10 : memref<576xf32, #tpu.memory_space<vmem>>)
      tpu.yield
    }) : () -> ()
    "tpu.region"() ({
      %run_scoped3A = tpu.sem_alloc : memref<!tpu.dma_semaphore, #tpu.memory_space<semaphore_mem>>
      %dma_start3A = arith.constant 0 : i32
      %dma_start3A_33 = tpu.memref_slice %arg2[%select_n3A, %dma_start3A] : memref<16x1024xf32, #tpu.memory_space<hbm>> -> memref<1x1024xf32, #tpu.memory_space<hbm>>
      %dma_start3A_34 = tpu.memref_squeeze %dma_start3A_33 : memref<1x1024xf32, #tpu.memory_space<hbm>> -> memref<1024xf32, #tpu.memory_space<hbm>>
      %dma_start3A_35 = arith.constant 0 : i32
      %dma_start3A_36 = tpu.memref_slice %arg2[%select_n3A, %dma_start3A_35] : memref<16x1024xf32, #tpu.memory_space<hbm>> -> memref<1x1024xf32, #tpu.memory_space<hbm>>
      %dma_start3A_37 = tpu.memref_squeeze %dma_start3A_36 : memref<1x1024xf32, #tpu.memory_space<hbm>> -> memref<1024xf32, #tpu.memory_space<hbm>>
      tpu.enqueue_dma source(%dma_start3A_37 : memref<1024xf32, #tpu.memory_space<hbm>>) target(%arg7 : memref<1024xf32, #tpu.memory_space<vmem>>) target_semaphore(%run_scoped3A : memref<!tpu.dma_semaphore, #tpu.memory_space<semaphore_mem>>)
      %dma_wait3A = arith.constant 0 : i32
      %dma_wait3A_38 = tpu.memref_slice %arg2[%select_n3A, %dma_wait3A] : memref<16x1024xf32, #tpu.memory_space<hbm>> -> memref<1x1024xf32, #tpu.memory_space<hbm>>
      %dma_wait3A_39 = tpu.memref_squeeze %dma_wait3A_38 : memref<1x1024xf32, #tpu.memory_space<hbm>> -> memref<1024xf32, #tpu.memory_space<hbm>>
      %dma_wait3A_40 = arith.constant 0 : i32
      %dma_wait3A_41 = tpu.memref_slice %arg2[%select_n3A, %dma_wait3A_40] : memref<16x1024xf32, #tpu.memory_space<hbm>> -> memref<1x1024xf32, #tpu.memory_space<hbm>>
      %dma_wait3A_42 = tpu.memref_squeeze %dma_wait3A_41 : memref<1x1024xf32, #tpu.memory_space<hbm>> -> memref<1024xf32, #tpu.memory_space<hbm>>
      tpu.wait_dma2 semaphore(%run_scoped3A : memref<!tpu.dma_semaphore, #tpu.memory_space<semaphore_mem>>) src(%dma_wait3A_42 : memref<1024xf32, #tpu.memory_space<hbm>>) dst(%arg7 : memref<1024xf32, #tpu.memory_space<vmem>>)
      tpu.yield
    }) : () -> ()
    "tpu.region"() ({
      %run_scoped3A = tpu.sem_alloc : memref<!tpu.dma_semaphore, #tpu.memory_space<semaphore_mem>>
      %dma_start3A = arith.constant 0 : i32
      %dma_start3A_33 = tpu.memref_slice %arg3[%select_n3A, %dma_start3A] : memref<16x1024xf32, #tpu.memory_space<hbm>> -> memref<1x1024xf32, #tpu.memory_space<hbm>>
      %dma_start3A_34 = tpu.memref_squeeze %dma_start3A_33 : memref<1x1024xf32, #tpu.memory_space<hbm>> -> memref<1024xf32, #tpu.memory_space<hbm>>
      %dma_start3A_35 = arith.constant 0 : i32
      %dma_start3A_36 = tpu.memref_slice %arg3[%select_n3A, %dma_start3A_35] : memref<16x1024xf32, #tpu.memory_space<hbm>> -> memref<1x1024xf32, #tpu.memory_space<hbm>>
      %dma_start3A_37 = tpu.memref_squeeze %dma_start3A_36 : memref<1x1024xf32, #tpu.memory_space<hbm>> -> memref<1024xf32, #tpu.memory_space<hbm>>
      tpu.enqueue_dma source(%dma_start3A_37 : memref<1024xf32, #tpu.memory_space<hbm>>) target(%arg8 : memref<1024xf32, #tpu.memory_space<vmem>>) target_semaphore(%run_scoped3A : memref<!tpu.dma_semaphore, #tpu.memory_space<semaphore_mem>>)
      %dma_wait3A = arith.constant 0 : i32
      %dma_wait3A_38 = tpu.memref_slice %arg3[%select_n3A, %dma_wait3A] : memref<16x1024xf32, #tpu.memory_space<hbm>> -> memref<1x1024xf32, #tpu.memory_space<hbm>>
      %dma_wait3A_39 = tpu.memref_squeeze %dma_wait3A_38 : memref<1x1024xf32, #tpu.memory_space<hbm>> -> memref<1024xf32, #tpu.memory_space<hbm>>
      %dma_wait3A_40 = arith.constant 0 : i32
      %dma_wait3A_41 = tpu.memref_slice %arg3[%select_n3A, %dma_wait3A_40] : memref<16x1024xf32, #tpu.memory_space<hbm>> -> memref<1x1024xf32, #tpu.memory_space<hbm>>
      %dma_wait3A_42 = tpu.memref_squeeze %dma_wait3A_41 : memref<1x1024xf32, #tpu.memory_space<hbm>> -> memref<1024xf32, #tpu.memory_space<hbm>>
      tpu.wait_dma2 semaphore(%run_scoped3A : memref<!tpu.dma_semaphore, #tpu.memory_space<semaphore_mem>>) src(%dma_wait3A_42 : memref<1024xf32, #tpu.memory_space<hbm>>) dst(%arg8 : memref<1024xf32, #tpu.memory_space<vmem>>)
      tpu.yield
    }) : () -> ()
    %scan3A = arith.constant 0 : i32
    %scan3A_22 = arith.constant 0 : i32
    %scan3A_23 = arith.constant 18 : i32
    %scan3A_24 = arith.addi %scan3A_22, %scan3A_23 : i32
    %scan3A_25 = arith.constant 1 : i32
    %scan3A_26 = scf.for %scan3A_33 = %scan3A_22 to %scan3A_24 step %scan3A_25 iter_args(%scan3A_34 = %scan3A) -> (i32)  : i32 {
      %add3A_35 = arith.addi %mul3A_21, %scan3A_33 : i32
      %mul3A_36 = arith.constant 16 : i32
      %mul3A_37 = arith.muli %add3A_35, %mul3A_36 : i32
      %get3A = arith.index_cast %mul3A_37 : i32 to index
      %get3A_38 = tpu.vector_load %arg9[%get3A] {strides = array<i32>} : memref<576xf32, #tpu.memory_space<vmem>>, vector<16xf32>,
      %get3A_39 = vector.shape_cast %get3A_38 : vector<16xf32> to vector<16xf32>
      %mul3A_40 = arith.constant 16 : i32
      %mul3A_41 = arith.muli %add3A_35, %mul3A_40 : i32
      %get3A_42 = arith.index_cast %mul3A_41 : i32 to index
      %get3A_43 = tpu.vector_load %arg10[%get3A_42] {strides = array<i32>} : memref<576xf32, #tpu.memory_space<vmem>>, vector<16xf32>,
      %get3A_44 = vector.shape_cast %get3A_43 : vector<16xf32> to vector<16xf32>
      %broadcast_in_dim3A = arith.constant 0x7F800000 : f32
      %broadcast_in_dim3A_45 = vector.broadcast %broadcast_in_dim3A : f32 to vector<16xf32>
      %broadcast_in_dim3A_46 = arith.constant 0.000000e+00 : f32
      %broadcast_in_dim3A_47 = vector.broadcast %broadcast_in_dim3A_46 : f32 to vector<16xf32>
      %scan3A_48 = arith.constant 0 : i32
      %scan3A_49 = arith.constant 64 : i32
      %scan3A_50 = arith.addi %scan3A_48, %scan3A_49 : i32
      %scan3A_51 = arith.constant 1 : i32
      %scan3A_52:2 = scf.for %scan3A_123 = %scan3A_48 to %scan3A_50 step %scan3A_51 iter_args(%scan3A_124 = %broadcast_in_dim3A_45, %scan3A_125 = %broadcast_in_dim3A_47) -> (vector<16xf32>, vector<16xf32>)  : i32 {
        %mul3A_126 = arith.constant 16 : i32
        %mul3A_127 = arith.muli %scan3A_123, %mul3A_126 : i32
        %get3A_128 = arith.index_cast %mul3A_127 : i32 to index
        %get3A_129 = tpu.vector_load %arg7[%get3A_128] {strides = array<i32>} : memref<1024xf32, #tpu.memory_space<vmem>>, vector<16xf32>,
        %get3A_130 = vector.shape_cast %get3A_129 : vector<16xf32> to vector<16xf32>
        %get3A_131 = arith.index_cast %mul3A_127 : i32 to index
        %get3A_132 = tpu.vector_load %arg8[%get3A_131] {strides = array<i32>} : memref<1024xf32, #tpu.memory_space<vmem>>, vector<16xf32>,
        %get3A_133 = vector.shape_cast %get3A_132 : vector<16xf32> to vector<16xf32>
        %broadcast_in_dim3A_134 = arith.constant 0 : i32
        %broadcast_in_dim3A_135 = vector.broadcast %broadcast_in_dim3A_134 : i32 to vector<16xi32>
        %lt3A = arith.constant 0 : i32
        %lt3A_136 = vector.broadcast %lt3A : i32 to vector<16xi32>
        %lt3A_137 = arith.cmpi slt, %broadcast_in_dim3A_135, %lt3A_136 : vector<16xi32>
        %add3A_138 = arith.constant 16 : i32
        %add3A_139 = vector.broadcast %add3A_138 : i32 to vector<16xi32>
        %add3A_140 = arith.addi %broadcast_in_dim3A_135, %add3A_139 : vector<16xi32>
        %select_n3A_141 = arith.select %lt3A_137, %add3A_140, %broadcast_in_dim3A_135 : vector<16xi1>, vector<16xi32>
        %broadcast_in_dim3A_142 = vector.shape_cast %select_n3A_141 : vector<16xi32> to vector<16x1xi32>
        %gather3A = vector.shape_cast %broadcast_in_dim3A_142 : vector<16x1xi32> to vector<16xi32>
        %gather3A_143 = tpu.dynamic_gather %get3A_130[%gather3A] in [0] : vector<16xf32>, vector<16xi32> -> vector<16xf32>
        %lt3A_144 = arith.constant 0 : i32
        %lt3A_145 = vector.broadcast %lt3A_144 : i32 to vector<16xi32>
        %lt3A_146 = arith.cmpi slt, %broadcast_in_dim3A_135, %lt3A_145 : vector<16xi32>
        %add3A_147 = arith.constant 16 : i32
        %add3A_148 = vector.broadcast %add3A_147 : i32 to vector<16xi32>
        %add3A_149 = arith.addi %broadcast_in_dim3A_135, %add3A_148 : vector<16xi32>
        %select_n3A_150 = arith.select %lt3A_146, %add3A_149, %broadcast_in_dim3A_135 : vector<16xi1>, vector<16xi32>
        %broadcast_in_dim3A_151 = vector.shape_cast %select_n3A_150 : vector<16xi32> to vector<16x1xi32>
        %gather3A_152 = vector.shape_cast %broadcast_in_dim3A_151 : vector<16x1xi32> to vector<16xi32>
        %gather3A_153 = tpu.dynamic_gather %get3A_133[%gather3A_152] in [0] : vector<16xf32>, vector<16xi32> -> vector<16xf32>
        %sub3A_154 = arith.subf %gather3A_143, %get3A_39 : vector<16xf32>
        %sub3A_155 = arith.subf %gather3A_153, %get3A_44 : vector<16xf32>
        %mul3A_156 = arith.mulf %sub3A_154, %sub3A_154 : vector<16xf32>
        %mul3A_157 = arith.mulf %sub3A_155, %sub3A_155 : vector<16xf32>
        %add3A_158 = arith.addf %mul3A_156, %mul3A_157 : vector<16xf32>
        %add3A_159 = arith.constant 0 : i32
        %add3A_160 = arith.addi %mul3A_127, %add3A_159 : i32
        %mul3A_161 = arith.constant 16 : i32
        %mul3A_162 = arith.muli %add3A_160, %mul3A_161 : i32
        %swap3A_163 = arith.index_cast %mul3A_162 : i32 to index
        %swap3A_164 = tpu.vector_load %arg11[%swap3A_163] {strides = array<i32>} : memref<16384xf32, #tpu.memory_space<vmem>>, vector<16xf32>,
        %swap3A_165 = vector.shape_cast %swap3A_164 : vector<16xf32> to vector<16xf32>
        %swap3A_166 = vector.shape_cast %add3A_158 : vector<16xf32> to vector<16xf32>
        tpu.vector_store %arg11[%swap3A_163], %swap3A_166 {strides = array<i32>} : memref<16384xf32, #tpu.memory_space<vmem>>, vector<16xf32>,
        %min3A = arith.minimumf %scan3A_124, %add3A_158 : vector<16xf32>
        %max3A_167 = arith.maximumf %scan3A_125, %add3A_158 : vector<16xf32>
        %broadcast_in_dim3A_168 = arith.constant 1 : i32
        %broadcast_in_dim3A_169 = vector.broadcast %broadcast_in_dim3A_168 : i32 to vector<16xi32>
        %lt3A_170 = arith.constant 0 : i32
        %lt3A_171 = vector.broadcast %lt3A_170 : i32 to vector<16xi32>
        %lt3A_172 = arith.cmpi slt, %broadcast_in_dim3A_169, %lt3A_171 : vector<16xi32>
        %add3A_173 = arith.constant 16 : i32
        %add3A_174 = vector.broadcast %add3A_173 : i32 to vector<16xi32>
        %add3A_175 = arith.addi %broadcast_in_dim3A_169, %add3A_174 : vector<16xi32>
        %select_n3A_176 = arith.select %lt3A_172, %add3A_175, %broadcast_in_dim3A_169 : vector<16xi1>, vector<16xi32>
        %broadcast_in_dim3A_177 = vector.shape_cast %select_n3A_176 : vector<16xi32> to vector<16x1xi32>
        %gather3A_178 = vector.shape_cast %broadcast_in_dim3A_177 : vector<16x1xi32> to vector<16xi32>
        %gather3A_179 = tpu.dynamic_gather %get3A_130[%gather3A_178] in [0] : vector<16xf32>, vector<16xi32> -> vector<16xf32>
        %lt3A_180 = arith.constant 0 : i32
        %lt3A_181 = vector.broadcast %lt3A_180 : i32 to vector<16xi32>
        %lt3A_182 = arith.cmpi slt, %broadcast_in_dim3A_169, %lt3A_181 : vector<16xi32>
        %add3A_183 = arith.constant 16 : i32
        %add3A_184 = vector.broadcast %add3A_183 : i32 to vector<16xi32>
        %add3A_185 = arith.addi %broadcast_in_dim3A_169, %add3A_184 : vector<16xi32>
        %select_n3A_186 = arith.select %lt3A_182, %add3A_185, %broadcast_in_dim3A_169 : vector<16xi1>, vector<16xi32>
        %broadcast_in_dim3A_187 = vector.shape_cast %select_n3A_186 : vector<16xi32> to vector<16x1xi32>
        %gather3A_188 = vector.shape_cast %broadcast_in_dim3A_187 : vector<16x1xi32> to vector<16xi32>
        %gather3A_189 = tpu.dynamic_gather %get3A_133[%gather3A_188] in [0] : vector<16xf32>, vector<16xi32> -> vector<16xf32>
        %sub3A_190 = arith.subf %gather3A_179, %get3A_39 : vector<16xf32>
        %sub3A_191 = arith.subf %gather3A_189, %get3A_44 : vector<16xf32>
        %mul3A_192 = arith.mulf %sub3A_190, %sub3A_190 : vector<16xf32>
        %mul3A_193 = arith.mulf %sub3A_191, %sub3A_191 : vector<16xf32>
        %add3A_194 = arith.addf %mul3A_192, %mul3A_193 : vector<16xf32>
        %add3A_195 = arith.constant 1 : i32
        %add3A_196 = arith.addi %mul3A_127, %add3A_195 : i32
        %mul3A_197 = arith.constant 16 : i32
        %mul3A_198 = arith.muli %add3A_196, %mul3A_197 : i32
        %swap3A_199 = arith.index_cast %mul3A_198 : i32 to index
        %swap3A_200 = tpu.vector_load %arg11[%swap3A_199] {strides = array<i32>} : memref<16384xf32, #tpu.memory_space<vmem>>, vector<16xf32>,
        %swap3A_201 = vector.shape_cast %swap3A_200 : vector<16xf32> to vector<16xf32>
        %swap3A_202 = vector.shape_cast %add3A_194 : vector<16xf32> to vector<16xf32>
        tpu.vector_store %arg11[%swap3A_199], %swap3A_202 {strides = array<i32>} : memref<16384xf32, #tpu.memory_space<vmem>>, vector<16xf32>,
        %min3A_203 = arith.minimumf %min3A, %add3A_194 : vector<16xf32>
        %max3A_204 = arith.maximumf %max3A_167, %add3A_194 : vector<16xf32>
        %broadcast_in_dim3A_205 = arith.constant 2 : i32
        %broadcast_in_dim3A_206 = vector.broadcast %broadcast_in_dim3A_205 : i32 to vector<16xi32>
        %lt3A_207 = arith.constant 0 : i32
        %lt3A_208 = vector.broadcast %lt3A_207 : i32 to vector<16xi32>
        %lt3A_209 = arith.cmpi slt, %broadcast_in_dim3A_206, %lt3A_208 : vector<16xi32>
        %add3A_210 = arith.constant 16 : i32
        %add3A_211 = vector.broadcast %add3A_210 : i32 to vector<16xi32>
        %add3A_212 = arith.addi %broadcast_in_dim3A_206, %add3A_211 : vector<16xi32>
        %select_n3A_213 = arith.select %lt3A_209, %add3A_212, %broadcast_in_dim3A_206 : vector<16xi1>, vector<16xi32>
        %broadcast_in_dim3A_214 = vector.shape_cast %select_n3A_213 : vector<16xi32> to vector<16x1xi32>
        %gather3A_215 = vector.shape_cast %broadcast_in_dim3A_214 : vector<16x1xi32> to vector<16xi32>
        %gather3A_216 = tpu.dynamic_gather %get3A_130[%gather3A_215] in [0] : vector<16xf32>, vector<16xi32> -> vector<16xf32>
        %lt3A_217 = arith.constant 0 : i32
        %lt3A_218 = vector.broadcast %lt3A_217 : i32 to vector<16xi32>
        %lt3A_219 = arith.cmpi slt, %broadcast_in_dim3A_206, %lt3A_218 : vector<16xi32>
        %add3A_220 = arith.constant 16 : i32
        %add3A_221 = vector.broadcast %add3A_220 : i32 to vector<16xi32>
        %add3A_222 = arith.addi %broadcast_in_dim3A_206, %add3A_221 : vector<16xi32>
        %select_n3A_223 = arith.select %lt3A_219, %add3A_222, %broadcast_in_dim3A_206 : vector<16xi1>, vector<16xi32>
        %broadcast_in_dim3A_224 = vector.shape_cast %select_n3A_223 : vector<16xi32> to vector<16x1xi32>
        %gather3A_225 = vector.shape_cast %broadcast_in_dim3A_224 : vector<16x1xi32> to vector<16xi32>
        %gather3A_226 = tpu.dynamic_gather %get3A_133[%gather3A_225] in [0] : vector<16xf32>, vector<16xi32> -> vector<16xf32>
        %sub3A_227 = arith.subf %gather3A_216, %get3A_39 : vector<16xf32>
        %sub3A_228 = arith.subf %gather3A_226, %get3A_44 : vector<16xf32>
        %mul3A_229 = arith.mulf %sub3A_227, %sub3A_227 : vector<16xf32>
        %mul3A_230 = arith.mulf %sub3A_228, %sub3A_228 : vector<16xf32>
        %add3A_231 = arith.addf %mul3A_229, %mul3A_230 : vector<16xf32>
        %add3A_232 = arith.constant 2 : i32
        %add3A_233 = arith.addi %mul3A_127, %add3A_232 : i32
        %mul3A_234 = arith.constant 16 : i32
        %mul3A_235 = arith.muli %add3A_233, %mul3A_234 : i32
        %swap3A_236 = arith.index_cast %mul3A_235 : i32 to index
        %swap3A_237 = tpu.vector_load %arg11[%swap3A_236] {strides = array<i32>} : memref<16384xf32, #tpu.memory_space<vmem>>, vector<16xf32>,
        %swap3A_238 = vector.shape_cast %swap3A_237 : vector<16xf32> to vector<16xf32>
        %swap3A_239 = vector.shape_cast %add3A_231 : vector<16xf32> to vector<16xf32>
        tpu.vector_store %arg11[%swap3A_236], %swap3A_239 {strides = array<i32>} : memref<16384xf32, #tpu.memory_space<vmem>>, vector<16xf32>,
        %min3A_240 = arith.minimumf %min3A_203, %add3A_231 : vector<16xf32>
        %max3A_241 = arith.maximumf %max3A_204, %add3A_231 : vector<16xf32>
        %broadcast_in_dim3A_242 = arith.constant 3 : i32
        %broadcast_in_dim3A_243 = vector.broadcast %broadcast_in_dim3A_242 : i32 to vector<16xi32>
        %lt3A_244 = arith.constant 0 : i32
        %lt3A_245 = vector.broadcast %lt3A_244 : i32 to vector<16xi32>
        %lt3A_246 = arith.cmpi slt, %broadcast_in_dim3A_243, %lt3A_245 : vector<16xi32>
        %add3A_247 = arith.constant 16 : i32
        %add3A_248 = vector.broadcast %add3A_247 : i32 to vector<16xi32>
        %add3A_249 = arith.addi %broadcast_in_dim3A_243, %add3A_248 : vector<16xi32>
        %select_n3A_250 = arith.select %lt3A_246, %add3A_249, %broadcast_in_dim3A_243 : vector<16xi1>, vector<16xi32>
        %broadcast_in_dim3A_251 = vector.shape_cast %select_n3A_250 : vector<16xi32> to vector<16x1xi32>
        %gather3A_252 = vector.shape_cast %broadcast_in_dim3A_251 : vector<16x1xi32> to vector<16xi32>
        %gather3A_253 = tpu.dynamic_gather %get3A_130[%gather3A_252] in [0] : vector<16xf32>, vector<16xi32> -> vector<16xf32>
        %lt3A_254 = arith.constant 0 : i32
        %lt3A_255 = vector.broadcast %lt3A_254 : i32 to vector<16xi32>
        %lt3A_256 = arith.cmpi slt, %broadcast_in_dim3A_243, %lt3A_255 : vector<16xi32>
        %add3A_257 = arith.constant 16 : i32
        %add3A_258 = vector.broadcast %add3A_257 : i32 to vector<16xi32>
        %add3A_259 = arith.addi %broadcast_in_dim3A_243, %add3A_258 : vector<16xi32>
        %select_n3A_260 = arith.select %lt3A_256, %add3A_259, %broadcast_in_dim3A_243 : vector<16xi1>, vector<16xi32>
        %broadcast_in_dim3A_261 = vector.shape_cast %select_n3A_260 : vector<16xi32> to vector<16x1xi32>
        %gather3A_262 = vector.shape_cast %broadcast_in_dim3A_261 : vector<16x1xi32> to vector<16xi32>
        %gather3A_263 = tpu.dynamic_gather %get3A_133[%gather3A_262] in [0] : vector<16xf32>, vector<16xi32> -> vector<16xf32>
        %sub3A_264 = arith.subf %gather3A_253, %get3A_39 : vector<16xf32>
        %sub3A_265 = arith.subf %gather3A_263, %get3A_44 : vector<16xf32>
        %mul3A_266 = arith.mulf %sub3A_264, %sub3A_264 : vector<16xf32>
        %mul3A_267 = arith.mulf %sub3A_265, %sub3A_265 : vector<16xf32>
        %add3A_268 = arith.addf %mul3A_266, %mul3A_267 : vector<16xf32>
        %add3A_269 = arith.constant 3 : i32
        %add3A_270 = arith.addi %mul3A_127, %add3A_269 : i32
        %mul3A_271 = arith.constant 16 : i32
        %mul3A_272 = arith.muli %add3A_270, %mul3A_271 : i32
        %swap3A_273 = arith.index_cast %mul3A_272 : i32 to index
        %swap3A_274 = tpu.vector_load %arg11[%swap3A_273] {strides = array<i32>} : memref<16384xf32, #tpu.memory_space<vmem>>, vector<16xf32>,
        %swap3A_275 = vector.shape_cast %swap3A_274 : vector<16xf32> to vector<16xf32>
        %swap3A_276 = vector.shape_cast %add3A_268 : vector<16xf32> to vector<16xf32>
        tpu.vector_store %arg11[%swap3A_273], %swap3A_276 {strides = array<i32>} : memref<16384xf32, #tpu.memory_space<vmem>>, vector<16xf32>,
        %min3A_277 = arith.minimumf %min3A_240, %add3A_268 : vector<16xf32>
        %max3A_278 = arith.maximumf %max3A_241, %add3A_268 : vector<16xf32>
        %broadcast_in_dim3A_279 = arith.constant 4 : i32
        %broadcast_in_dim3A_280 = vector.broadcast %broadcast_in_dim3A_279 : i32 to vector<16xi32>
        %lt3A_281 = arith.constant 0 : i32
        %lt3A_282 = vector.broadcast %lt3A_281 : i32 to vector<16xi32>
        %lt3A_283 = arith.cmpi slt, %broadcast_in_dim3A_280, %lt3A_282 : vector<16xi32>
        %add3A_284 = arith.constant 16 : i32
        %add3A_285 = vector.broadcast %add3A_284 : i32 to vector<16xi32>
        %add3A_286 = arith.addi %broadcast_in_dim3A_280, %add3A_285 : vector<16xi32>
        %select_n3A_287 = arith.select %lt3A_283, %add3A_286, %broadcast_in_dim3A_280 : vector<16xi1>, vector<16xi32>
        %broadcast_in_dim3A_288 = vector.shape_cast %select_n3A_287 : vector<16xi32> to vector<16x1xi32>
        %gather3A_289 = vector.shape_cast %broadcast_in_dim3A_288 : vector<16x1xi32> to vector<16xi32>
        %gather3A_290 = tpu.dynamic_gather %get3A_130[%gather3A_289] in [0] : vector<16xf32>, vector<16xi32> -> vector<16xf32>
        %lt3A_291 = arith.constant 0 : i32
        %lt3A_292 = vector.broadcast %lt3A_291 : i32 to vector<16xi32>
        %lt3A_293 = arith.cmpi slt, %broadcast_in_dim3A_280, %lt3A_292 : vector<16xi32>
        %add3A_294 = arith.constant 16 : i32
        %add3A_295 = vector.broadcast %add3A_294 : i32 to vector<16xi32>
        %add3A_296 = arith.addi %broadcast_in_dim3A_280, %add3A_295 : vector<16xi32>
        %select_n3A_297 = arith.select %lt3A_293, %add3A_296, %broadcast_in_dim3A_280 : vector<16xi1>, vector<16xi32>
        %broadcast_in_dim3A_298 = vector.shape_cast %select_n3A_297 : vector<16xi32> to vector<16x1xi32>
        %gather3A_299 = vector.shape_cast %broadcast_in_dim3A_298 : vector<16x1xi32> to vector<16xi32>
        %gather3A_300 = tpu.dynamic_gather %get3A_133[%gather3A_299] in [0] : vector<16xf32>, vector<16xi32> -> vector<16xf32>
        %sub3A_301 = arith.subf %gather3A_290, %get3A_39 : vector<16xf32>
        %sub3A_302 = arith.subf %gather3A_300, %get3A_44 : vector<16xf32>
        %mul3A_303 = arith.mulf %sub3A_301, %sub3A_301 : vector<16xf32>
        %mul3A_304 = arith.mulf %sub3A_302, %sub3A_302 : vector<16xf32>
        %add3A_305 = arith.addf %mul3A_303, %mul3A_304 : vector<16xf32>
        %add3A_306 = arith.constant 4 : i32
        %add3A_307 = arith.addi %mul3A_127, %add3A_306 : i32
        %mul3A_308 = arith.constant 16 : i32
        %mul3A_309 = arith.muli %add3A_307, %mul3A_308 : i32
        %swap3A_310 = arith.index_cast %mul3A_309 : i32 to index
        %swap3A_311 = tpu.vector_load %arg11[%swap3A_310] {strides = array<i32>} : memref<16384xf32, #tpu.memory_space<vmem>>, vector<16xf32>,
        %swap3A_312 = vector.shape_cast %swap3A_311 : vector<16xf32> to vector<16xf32>
        %swap3A_313 = vector.shape_cast %add3A_305 : vector<16xf32> to vector<16xf32>
        tpu.vector_store %arg11[%swap3A_310], %swap3A_313 {strides = array<i32>} : memref<16384xf32, #tpu.memory_space<vmem>>, vector<16xf32>,
        %min3A_314 = arith.minimumf %min3A_277, %add3A_305 : vector<16xf32>
        %max3A_315 = arith.maximumf %max3A_278, %add3A_305 : vector<16xf32>
        %broadcast_in_dim3A_316 = arith.constant 5 : i32
        %broadcast_in_dim3A_317 = vector.broadcast %broadcast_in_dim3A_316 : i32 to vector<16xi32>
        %lt3A_318 = arith.constant 0 : i32
        %lt3A_319 = vector.broadcast %lt3A_318 : i32 to vector<16xi32>
        %lt3A_320 = arith.cmpi slt, %broadcast_in_dim3A_317, %lt3A_319 : vector<16xi32>
        %add3A_321 = arith.constant 16 : i32
        %add3A_322 = vector.broadcast %add3A_321 : i32 to vector<16xi32>
        %add3A_323 = arith.addi %broadcast_in_dim3A_317, %add3A_322 : vector<16xi32>
        %select_n3A_324 = arith.select %lt3A_320, %add3A_323, %broadcast_in_dim3A_317 : vector<16xi1>, vector<16xi32>
        %broadcast_in_dim3A_325 = vector.shape_cast %select_n3A_324 : vector<16xi32> to vector<16x1xi32>
        %gather3A_326 = vector.shape_cast %broadcast_in_dim3A_325 : vector<16x1xi32> to vector<16xi32>
        %gather3A_327 = tpu.dynamic_gather %get3A_130[%gather3A_326] in [0] : vector<16xf32>, vector<16xi32> -> vector<16xf32>
        %lt3A_328 = arith.constant 0 : i32
        %lt3A_329 = vector.broadcast %lt3A_328 : i32 to vector<16xi32>
        %lt3A_330 = arith.cmpi slt, %broadcast_in_dim3A_317, %lt3A_329 : vector<16xi32>
        %add3A_331 = arith.constant 16 : i32
        %add3A_332 = vector.broadcast %add3A_331 : i32 to vector<16xi32>
        %add3A_333 = arith.addi %broadcast_in_dim3A_317, %add3A_332 : vector<16xi32>
        %select_n3A_334 = arith.select %lt3A_330, %add3A_333, %broadcast_in_dim3A_317 : vector<16xi1>, vector<16xi32>
        %broadcast_in_dim3A_335 = vector.shape_cast %select_n3A_334 : vector<16xi32> to vector<16x1xi32>
        %gather3A_336 = vector.shape_cast %broadcast_in_dim3A_335 : vector<16x1xi32> to vector<16xi32>
        %gather3A_337 = tpu.dynamic_gather %get3A_133[%gather3A_336] in [0] : vector<16xf32>, vector<16xi32> -> vector<16xf32>
        %sub3A_338 = arith.subf %gather3A_327, %get3A_39 : vector<16xf32>
        %sub3A_339 = arith.subf %gather3A_337, %get3A_44 : vector<16xf32>
        %mul3A_340 = arith.mulf %sub3A_338, %sub3A_338 : vector<16xf32>
        %mul3A_341 = arith.mulf %sub3A_339, %sub3A_339 : vector<16xf32>
        %add3A_342 = arith.addf %mul3A_340, %mul3A_341 : vector<16xf32>
        %add3A_343 = arith.constant 5 : i32
        %add3A_344 = arith.addi %mul3A_127, %add3A_343 : i32
        %mul3A_345 = arith.constant 16 : i32
        %mul3A_346 = arith.muli %add3A_344, %mul3A_345 : i32
        %swap3A_347 = arith.index_cast %mul3A_346 : i32 to index
        %swap3A_348 = tpu.vector_load %arg11[%swap3A_347] {strides = array<i32>} : memref<16384xf32, #tpu.memory_space<vmem>>, vector<16xf32>,
        %swap3A_349 = vector.shape_cast %swap3A_348 : vector<16xf32> to vector<16xf32>
        %swap3A_350 = vector.shape_cast %add3A_342 : vector<16xf32> to vector<16xf32>
        tpu.vector_store %arg11[%swap3A_347], %swap3A_350 {strides = array<i32>} : memref<16384xf32, #tpu.memory_space<vmem>>, vector<16xf32>,
        %min3A_351 = arith.minimumf %min3A_314, %add3A_342 : vector<16xf32>
        %max3A_352 = arith.maximumf %max3A_315, %add3A_342 : vector<16xf32>
        %broadcast_in_dim3A_353 = arith.constant 6 : i32
        %broadcast_in_dim3A_354 = vector.broadcast %broadcast_in_dim3A_353 : i32 to vector<16xi32>
        %lt3A_355 = arith.constant 0 : i32
        %lt3A_356 = vector.broadcast %lt3A_355 : i32 to vector<16xi32>
        %lt3A_357 = arith.cmpi slt, %broadcast_in_dim3A_354, %lt3A_356 : vector<16xi32>
        %add3A_358 = arith.constant 16 : i32
        %add3A_359 = vector.broadcast %add3A_358 : i32 to vector<16xi32>
        %add3A_360 = arith.addi %broadcast_in_dim3A_354, %add3A_359 : vector<16xi32>
        %select_n3A_361 = arith.select %lt3A_357, %add3A_360, %broadcast_in_dim3A_354 : vector<16xi1>, vector<16xi32>
        %broadcast_in_dim3A_362 = vector.shape_cast %select_n3A_361 : vector<16xi32> to vector<16x1xi32>
        %gather3A_363 = vector.shape_cast %broadcast_in_dim3A_362 : vector<16x1xi32> to vector<16xi32>
        %gather3A_364 = tpu.dynamic_gather %get3A_130[%gather3A_363] in [0] : vector<16xf32>, vector<16xi32> -> vector<16xf32>
        %lt3A_365 = arith.constant 0 : i32
        %lt3A_366 = vector.broadcast %lt3A_365 : i32 to vector<16xi32>
        %lt3A_367 = arith.cmpi slt, %broadcast_in_dim3A_354, %lt3A_366 : vector<16xi32>
        %add3A_368 = arith.constant 16 : i32
        %add3A_369 = vector.broadcast %add3A_368 : i32 to vector<16xi32>
        %add3A_370 = arith.addi %broadcast_in_dim3A_354, %add3A_369 : vector<16xi32>
        %select_n3A_371 = arith.select %lt3A_367, %add3A_370, %broadcast_in_dim3A_354 : vector<16xi1>, vector<16xi32>
        %broadcast_in_dim3A_372 = vector.shape_cast %select_n3A_371 : vector<16xi32> to vector<16x1xi32>
        %gather3A_373 = vector.shape_cast %broadcast_in_dim3A_372 : vector<16x1xi32> to vector<16xi32>
        %gather3A_374 = tpu.dynamic_gather %get3A_133[%gather3A_373] in [0] : vector<16xf32>, vector<16xi32> -> vector<16xf32>
        %sub3A_375 = arith.subf %gather3A_364, %get3A_39 : vector<16xf32>
        %sub3A_376 = arith.subf %gather3A_374, %get3A_44 : vector<16xf32>
        %mul3A_377 = arith.mulf %sub3A_375, %sub3A_375 : vector<16xf32>
        %mul3A_378 = arith.mulf %sub3A_376, %sub3A_376 : vector<16xf32>
        %add3A_379 = arith.addf %mul3A_377, %mul3A_378 : vector<16xf32>
        %add3A_380 = arith.constant 6 : i32
        %add3A_381 = arith.addi %mul3A_127, %add3A_380 : i32
        %mul3A_382 = arith.constant 16 : i32
        %mul3A_383 = arith.muli %add3A_381, %mul3A_382 : i32
        %swap3A_384 = arith.index_cast %mul3A_383 : i32 to index
        %swap3A_385 = tpu.vector_load %arg11[%swap3A_384] {strides = array<i32>} : memref<16384xf32, #tpu.memory_space<vmem>>, vector<16xf32>,
        %swap3A_386 = vector.shape_cast %swap3A_385 : vector<16xf32> to vector<16xf32>
        %swap3A_387 = vector.shape_cast %add3A_379 : vector<16xf32> to vector<16xf32>
        tpu.vector_store %arg11[%swap3A_384], %swap3A_387 {strides = array<i32>} : memref<16384xf32, #tpu.memory_space<vmem>>, vector<16xf32>,
        %min3A_388 = arith.minimumf %min3A_351, %add3A_379 : vector<16xf32>
        %max3A_389 = arith.maximumf %max3A_352, %add3A_379 : vector<16xf32>
        %broadcast_in_dim3A_390 = arith.constant 7 : i32
        %broadcast_in_dim3A_391 = vector.broadcast %broadcast_in_dim3A_390 : i32 to vector<16xi32>
        %lt3A_392 = arith.constant 0 : i32
        %lt3A_393 = vector.broadcast %lt3A_392 : i32 to vector<16xi32>
        %lt3A_394 = arith.cmpi slt, %broadcast_in_dim3A_391, %lt3A_393 : vector<16xi32>
        %add3A_395 = arith.constant 16 : i32
        %add3A_396 = vector.broadcast %add3A_395 : i32 to vector<16xi32>
        %add3A_397 = arith.addi %broadcast_in_dim3A_391, %add3A_396 : vector<16xi32>
        %select_n3A_398 = arith.select %lt3A_394, %add3A_397, %broadcast_in_dim3A_391 : vector<16xi1>, vector<16xi32>
        %broadcast_in_dim3A_399 = vector.shape_cast %select_n3A_398 : vector<16xi32> to vector<16x1xi32>
        %gather3A_400 = vector.shape_cast %broadcast_in_dim3A_399 : vector<16x1xi32> to vector<16xi32>
        %gather3A_401 = tpu.dynamic_gather %get3A_130[%gather3A_400] in [0] : vector<16xf32>, vector<16xi32> -> vector<16xf32>
        %lt3A_402 = arith.constant 0 : i32
        %lt3A_403 = vector.broadcast %lt3A_402 : i32 to vector<16xi32>
        %lt3A_404 = arith.cmpi slt, %broadcast_in_dim3A_391, %lt3A_403 : vector<16xi32>
        %add3A_405 = arith.constant 16 : i32
        %add3A_406 = vector.broadcast %add3A_405 : i32 to vector<16xi32>
        %add3A_407 = arith.addi %broadcast_in_dim3A_391, %add3A_406 : vector<16xi32>
        %select_n3A_408 = arith.select %lt3A_404, %add3A_407, %broadcast_in_dim3A_391 : vector<16xi1>, vector<16xi32>
        %broadcast_in_dim3A_409 = vector.shape_cast %select_n3A_408 : vector<16xi32> to vector<16x1xi32>
        %gather3A_410 = vector.shape_cast %broadcast_in_dim3A_409 : vector<16x1xi32> to vector<16xi32>
        %gather3A_411 = tpu.dynamic_gather %get3A_133[%gather3A_410] in [0] : vector<16xf32>, vector<16xi32> -> vector<16xf32>
        %sub3A_412 = arith.subf %gather3A_401, %get3A_39 : vector<16xf32>
        %sub3A_413 = arith.subf %gather3A_411, %get3A_44 : vector<16xf32>
        %mul3A_414 = arith.mulf %sub3A_412, %sub3A_412 : vector<16xf32>
        %mul3A_415 = arith.mulf %sub3A_413, %sub3A_413 : vector<16xf32>
        %add3A_416 = arith.addf %mul3A_414, %mul3A_415 : vector<16xf32>
        %add3A_417 = arith.constant 7 : i32
        %add3A_418 = arith.addi %mul3A_127, %add3A_417 : i32
        %mul3A_419 = arith.constant 16 : i32
        %mul3A_420 = arith.muli %add3A_418, %mul3A_419 : i32
        %swap3A_421 = arith.index_cast %mul3A_420 : i32 to index
        %swap3A_422 = tpu.vector_load %arg11[%swap3A_421] {strides = array<i32>} : memref<16384xf32, #tpu.memory_space<vmem>>, vector<16xf32>,
        %swap3A_423 = vector.shape_cast %swap3A_422 : vector<16xf32> to vector<16xf32>
        %swap3A_424 = vector.shape_cast %add3A_416 : vector<16xf32> to vector<16xf32>
        tpu.vector_store %arg11[%swap3A_421], %swap3A_424 {strides = array<i32>} : memref<16384xf32, #tpu.memory_space<vmem>>, vector<16xf32>,
        %min3A_425 = arith.minimumf %min3A_388, %add3A_416 : vector<16xf32>
        %max3A_426 = arith.maximumf %max3A_389, %add3A_416 : vector<16xf32>
        %broadcast_in_dim3A_427 = arith.constant 8 : i32
        %broadcast_in_dim3A_428 = vector.broadcast %broadcast_in_dim3A_427 : i32 to vector<16xi32>
        %lt3A_429 = arith.constant 0 : i32
        %lt3A_430 = vector.broadcast %lt3A_429 : i32 to vector<16xi32>
        %lt3A_431 = arith.cmpi slt, %broadcast_in_dim3A_428, %lt3A_430 : vector<16xi32>
        %add3A_432 = arith.constant 16 : i32
        %add3A_433 = vector.broadcast %add3A_432 : i32 to vector<16xi32>
        %add3A_434 = arith.addi %broadcast_in_dim3A_428, %add3A_433 : vector<16xi32>
        %select_n3A_435 = arith.select %lt3A_431, %add3A_434, %broadcast_in_dim3A_428 : vector<16xi1>, vector<16xi32>
        %broadcast_in_dim3A_436 = vector.shape_cast %select_n3A_435 : vector<16xi32> to vector<16x1xi32>
        %gather3A_437 = vector.shape_cast %broadcast_in_dim3A_436 : vector<16x1xi32> to vector<16xi32>
        %gather3A_438 = tpu.dynamic_gather %get3A_130[%gather3A_437] in [0] : vector<16xf32>, vector<16xi32> -> vector<16xf32>
        %lt3A_439 = arith.constant 0 : i32
        %lt3A_440 = vector.broadcast %lt3A_439 : i32 to vector<16xi32>
        %lt3A_441 = arith.cmpi slt, %broadcast_in_dim3A_428, %lt3A_440 : vector<16xi32>
        %add3A_442 = arith.constant 16 : i32
        %add3A_443 = vector.broadcast %add3A_442 : i32 to vector<16xi32>
        %add3A_444 = arith.addi %broadcast_in_dim3A_428, %add3A_443 : vector<16xi32>
        %select_n3A_445 = arith.select %lt3A_441, %add3A_444, %broadcast_in_dim3A_428 : vector<16xi1>, vector<16xi32>
        %broadcast_in_dim3A_446 = vector.shape_cast %select_n3A_445 : vector<16xi32> to vector<16x1xi32>
        %gather3A_447 = vector.shape_cast %broadcast_in_dim3A_446 : vector<16x1xi32> to vector<16xi32>
        %gather3A_448 = tpu.dynamic_gather %get3A_133[%gather3A_447] in [0] : vector<16xf32>, vector<16xi32> -> vector<16xf32>
        %sub3A_449 = arith.subf %gather3A_438, %get3A_39 : vector<16xf32>
        %sub3A_450 = arith.subf %gather3A_448, %get3A_44 : vector<16xf32>
        %mul3A_451 = arith.mulf %sub3A_449, %sub3A_449 : vector<16xf32>
        %mul3A_452 = arith.mulf %sub3A_450, %sub3A_450 : vector<16xf32>
        %add3A_453 = arith.addf %mul3A_451, %mul3A_452 : vector<16xf32>
        %add3A_454 = arith.constant 8 : i32
        %add3A_455 = arith.addi %mul3A_127, %add3A_454 : i32
        %mul3A_456 = arith.constant 16 : i32
        %mul3A_457 = arith.muli %add3A_455, %mul3A_456 : i32
        %swap3A_458 = arith.index_cast %mul3A_457 : i32 to index
        %swap3A_459 = tpu.vector_load %arg11[%swap3A_458] {strides = array<i32>} : memref<16384xf32, #tpu.memory_space<vmem>>, vector<16xf32>,
        %swap3A_460 = vector.shape_cast %swap3A_459 : vector<16xf32> to vector<16xf32>
        %swap3A_461 = vector.shape_cast %add3A_453 : vector<16xf32> to vector<16xf32>
        tpu.vector_store %arg11[%swap3A_458], %swap3A_461 {strides = array<i32>} : memref<16384xf32, #tpu.memory_space<vmem>>, vector<16xf32>,
        %min3A_462 = arith.minimumf %min3A_425, %add3A_453 : vector<16xf32>
        %max3A_463 = arith.maximumf %max3A_426, %add3A_453 : vector<16xf32>
        %broadcast_in_dim3A_464 = arith.constant 9 : i32
        %broadcast_in_dim3A_465 = vector.broadcast %broadcast_in_dim3A_464 : i32 to vector<16xi32>
        %lt3A_466 = arith.constant 0 : i32
        %lt3A_467 = vector.broadcast %lt3A_466 : i32 to vector<16xi32>
        %lt3A_468 = arith.cmpi slt, %broadcast_in_dim3A_465, %lt3A_467 : vector<16xi32>
        %add3A_469 = arith.constant 16 : i32
        %add3A_470 = vector.broadcast %add3A_469 : i32 to vector<16xi32>
        %add3A_471 = arith.addi %broadcast_in_dim3A_465, %add3A_470 : vector<16xi32>
        %select_n3A_472 = arith.select %lt3A_468, %add3A_471, %broadcast_in_dim3A_465 : vector<16xi1>, vector<16xi32>
        %broadcast_in_dim3A_473 = vector.shape_cast %select_n3A_472 : vector<16xi32> to vector<16x1xi32>
        %gather3A_474 = vector.shape_cast %broadcast_in_dim3A_473 : vector<16x1xi32> to vector<16xi32>
        %gather3A_475 = tpu.dynamic_gather %get3A_130[%gather3A_474] in [0] : vector<16xf32>, vector<16xi32> -> vector<16xf32>
        %lt3A_476 = arith.constant 0 : i32
        %lt3A_477 = vector.broadcast %lt3A_476 : i32 to vector<16xi32>
        %lt3A_478 = arith.cmpi slt, %broadcast_in_dim3A_465, %lt3A_477 : vector<16xi32>
        %add3A_479 = arith.constant 16 : i32
        %add3A_480 = vector.broadcast %add3A_479 : i32 to vector<16xi32>
        %add3A_481 = arith.addi %broadcast_in_dim3A_465, %add3A_480 : vector<16xi32>
        %select_n3A_482 = arith.select %lt3A_478, %add3A_481, %broadcast_in_dim3A_465 : vector<16xi1>, vector<16xi32>
        %broadcast_in_dim3A_483 = vector.shape_cast %select_n3A_482 : vector<16xi32> to vector<16x1xi32>
        %gather3A_484 = vector.shape_cast %broadcast_in_dim3A_483 : vector<16x1xi32> to vector<16xi32>
        %gather3A_485 = tpu.dynamic_gather %get3A_133[%gather3A_484] in [0] : vector<16xf32>, vector<16xi32> -> vector<16xf32>
        %sub3A_486 = arith.subf %gather3A_475, %get3A_39 : vector<16xf32>
        %sub3A_487 = arith.subf %gather3A_485, %get3A_44 : vector<16xf32>
        %mul3A_488 = arith.mulf %sub3A_486, %sub3A_486 : vector<16xf32>
        %mul3A_489 = arith.mulf %sub3A_487, %sub3A_487 : vector<16xf32>
        %add3A_490 = arith.addf %mul3A_488, %mul3A_489 : vector<16xf32>
        %add3A_491 = arith.constant 9 : i32
        %add3A_492 = arith.addi %mul3A_127, %add3A_491 : i32
        %mul3A_493 = arith.constant 16 : i32
        %mul3A_494 = arith.muli %add3A_492, %mul3A_493 : i32
        %swap3A_495 = arith.index_cast %mul3A_494 : i32 to index
        %swap3A_496 = tpu.vector_load %arg11[%swap3A_495] {strides = array<i32>} : memref<16384xf32, #tpu.memory_space<vmem>>, vector<16xf32>,
        %swap3A_497 = vector.shape_cast %swap3A_496 : vector<16xf32> to vector<16xf32>
        %swap3A_498 = vector.shape_cast %add3A_490 : vector<16xf32> to vector<16xf32>
        tpu.vector_store %arg11[%swap3A_495], %swap3A_498 {strides = array<i32>} : memref<16384xf32, #tpu.memory_space<vmem>>, vector<16xf32>,
        %min3A_499 = arith.minimumf %min3A_462, %add3A_490 : vector<16xf32>
        %max3A_500 = arith.maximumf %max3A_463, %add3A_490 : vector<16xf32>
        %broadcast_in_dim3A_501 = arith.constant 10 : i32
        %broadcast_in_dim3A_502 = vector.broadcast %broadcast_in_dim3A_501 : i32 to vector<16xi32>
        %lt3A_503 = arith.constant 0 : i32
        %lt3A_504 = vector.broadcast %lt3A_503 : i32 to vector<16xi32>
        %lt3A_505 = arith.cmpi slt, %broadcast_in_dim3A_502, %lt3A_504 : vector<16xi32>
        %add3A_506 = arith.constant 16 : i32
        %add3A_507 = vector.broadcast %add3A_506 : i32 to vector<16xi32>
        %add3A_508 = arith.addi %broadcast_in_dim3A_502, %add3A_507 : vector<16xi32>
        %select_n3A_509 = arith.select %lt3A_505, %add3A_508, %broadcast_in_dim3A_502 : vector<16xi1>, vector<16xi32>
        %broadcast_in_dim3A_510 = vector.shape_cast %select_n3A_509 : vector<16xi32> to vector<16x1xi32>
        %gather3A_511 = vector.shape_cast %broadcast_in_dim3A_510 : vector<16x1xi32> to vector<16xi32>
        %gather3A_512 = tpu.dynamic_gather %get3A_130[%gather3A_511] in [0] : vector<16xf32>, vector<16xi32> -> vector<16xf32>
        %lt3A_513 = arith.constant 0 : i32
        %lt3A_514 = vector.broadcast %lt3A_513 : i32 to vector<16xi32>
        %lt3A_515 = arith.cmpi slt, %broadcast_in_dim3A_502, %lt3A_514 : vector<16xi32>
        %add3A_516 = arith.constant 16 : i32
        %add3A_517 = vector.broadcast %add3A_516 : i32 to vector<16xi32>
        %add3A_518 = arith.addi %broadcast_in_dim3A_502, %add3A_517 : vector<16xi32>
        %select_n3A_519 = arith.select %lt3A_515, %add3A_518, %broadcast_in_dim3A_502 : vector<16xi1>, vector<16xi32>
        %broadcast_in_dim3A_520 = vector.shape_cast %select_n3A_519 : vector<16xi32> to vector<16x1xi32>
        %gather3A_521 = vector.shape_cast %broadcast_in_dim3A_520 : vector<16x1xi32> to vector<16xi32>
        %gather3A_522 = tpu.dynamic_gather %get3A_133[%gather3A_521] in [0] : vector<16xf32>, vector<16xi32> -> vector<16xf32>
        %sub3A_523 = arith.subf %gather3A_512, %get3A_39 : vector<16xf32>
        %sub3A_524 = arith.subf %gather3A_522, %get3A_44 : vector<16xf32>
        %mul3A_525 = arith.mulf %sub3A_523, %sub3A_523 : vector<16xf32>
        %mul3A_526 = arith.mulf %sub3A_524, %sub3A_524 : vector<16xf32>
        %add3A_527 = arith.addf %mul3A_525, %mul3A_526 : vector<16xf32>
        %add3A_528 = arith.constant 10 : i32
        %add3A_529 = arith.addi %mul3A_127, %add3A_528 : i32
        %mul3A_530 = arith.constant 16 : i32
        %mul3A_531 = arith.muli %add3A_529, %mul3A_530 : i32
        %swap3A_532 = arith.index_cast %mul3A_531 : i32 to index
        %swap3A_533 = tpu.vector_load %arg11[%swap3A_532] {strides = array<i32>} : memref<16384xf32, #tpu.memory_space<vmem>>, vector<16xf32>,
        %swap3A_534 = vector.shape_cast %swap3A_533 : vector<16xf32> to vector<16xf32>
        %swap3A_535 = vector.shape_cast %add3A_527 : vector<16xf32> to vector<16xf32>
        tpu.vector_store %arg11[%swap3A_532], %swap3A_535 {strides = array<i32>} : memref<16384xf32, #tpu.memory_space<vmem>>, vector<16xf32>,
        %min3A_536 = arith.minimumf %min3A_499, %add3A_527 : vector<16xf32>
        %max3A_537 = arith.maximumf %max3A_500, %add3A_527 : vector<16xf32>
        %broadcast_in_dim3A_538 = arith.constant 11 : i32
        %broadcast_in_dim3A_539 = vector.broadcast %broadcast_in_dim3A_538 : i32 to vector<16xi32>
        %lt3A_540 = arith.constant 0 : i32
        %lt3A_541 = vector.broadcast %lt3A_540 : i32 to vector<16xi32>
        %lt3A_542 = arith.cmpi slt, %broadcast_in_dim3A_539, %lt3A_541 : vector<16xi32>
        %add3A_543 = arith.constant 16 : i32
        %add3A_544 = vector.broadcast %add3A_543 : i32 to vector<16xi32>
        %add3A_545 = arith.addi %broadcast_in_dim3A_539, %add3A_544 : vector<16xi32>
        %select_n3A_546 = arith.select %lt3A_542, %add3A_545, %broadcast_in_dim3A_539 : vector<16xi1>, vector<16xi32>
        %broadcast_in_dim3A_547 = vector.shape_cast %select_n3A_546 : vector<16xi32> to vector<16x1xi32>
        %gather3A_548 = vector.shape_cast %broadcast_in_dim3A_547 : vector<16x1xi32> to vector<16xi32>
        %gather3A_549 = tpu.dynamic_gather %get3A_130[%gather3A_548] in [0] : vector<16xf32>, vector<16xi32> -> vector<16xf32>
        %lt3A_550 = arith.constant 0 : i32
        %lt3A_551 = vector.broadcast %lt3A_550 : i32 to vector<16xi32>
        %lt3A_552 = arith.cmpi slt, %broadcast_in_dim3A_539, %lt3A_551 : vector<16xi32>
        %add3A_553 = arith.constant 16 : i32
        %add3A_554 = vector.broadcast %add3A_553 : i32 to vector<16xi32>
        %add3A_555 = arith.addi %broadcast_in_dim3A_539, %add3A_554 : vector<16xi32>
        %select_n3A_556 = arith.select %lt3A_552, %add3A_555, %broadcast_in_dim3A_539 : vector<16xi1>, vector<16xi32>
        %broadcast_in_dim3A_557 = vector.shape_cast %select_n3A_556 : vector<16xi32> to vector<16x1xi32>
        %gather3A_558 = vector.shape_cast %broadcast_in_dim3A_557 : vector<16x1xi32> to vector<16xi32>
        %gather3A_559 = tpu.dynamic_gather %get3A_133[%gather3A_558] in [0] : vector<16xf32>, vector<16xi32> -> vector<16xf32>
        %sub3A_560 = arith.subf %gather3A_549, %get3A_39 : vector<16xf32>
        %sub3A_561 = arith.subf %gather3A_559, %get3A_44 : vector<16xf32>
        %mul3A_562 = arith.mulf %sub3A_560, %sub3A_560 : vector<16xf32>
        %mul3A_563 = arith.mulf %sub3A_561, %sub3A_561 : vector<16xf32>
        %add3A_564 = arith.addf %mul3A_562, %mul3A_563 : vector<16xf32>
        %add3A_565 = arith.constant 11 : i32
        %add3A_566 = arith.addi %mul3A_127, %add3A_565 : i32
        %mul3A_567 = arith.constant 16 : i32
        %mul3A_568 = arith.muli %add3A_566, %mul3A_567 : i32
        %swap3A_569 = arith.index_cast %mul3A_568 : i32 to index
        %swap3A_570 = tpu.vector_load %arg11[%swap3A_569] {strides = array<i32>} : memref<16384xf32, #tpu.memory_space<vmem>>, vector<16xf32>,
        %swap3A_571 = vector.shape_cast %swap3A_570 : vector<16xf32> to vector<16xf32>
        %swap3A_572 = vector.shape_cast %add3A_564 : vector<16xf32> to vector<16xf32>
        tpu.vector_store %arg11[%swap3A_569], %swap3A_572 {strides = array<i32>} : memref<16384xf32, #tpu.memory_space<vmem>>, vector<16xf32>,
        %min3A_573 = arith.minimumf %min3A_536, %add3A_564 : vector<16xf32>
        %max3A_574 = arith.maximumf %max3A_537, %add3A_564 : vector<16xf32>
        %broadcast_in_dim3A_575 = arith.constant 12 : i32
        %broadcast_in_dim3A_576 = vector.broadcast %broadcast_in_dim3A_575 : i32 to vector<16xi32>
        %lt3A_577 = arith.constant 0 : i32
        %lt3A_578 = vector.broadcast %lt3A_577 : i32 to vector<16xi32>
        %lt3A_579 = arith.cmpi slt, %broadcast_in_dim3A_576, %lt3A_578 : vector<16xi32>
        %add3A_580 = arith.constant 16 : i32
        %add3A_581 = vector.broadcast %add3A_580 : i32 to vector<16xi32>
        %add3A_582 = arith.addi %broadcast_in_dim3A_576, %add3A_581 : vector<16xi32>
        %select_n3A_583 = arith.select %lt3A_579, %add3A_582, %broadcast_in_dim3A_576 : vector<16xi1>, vector<16xi32>
        %broadcast_in_dim3A_584 = vector.shape_cast %select_n3A_583 : vector<16xi32> to vector<16x1xi32>
        %gather3A_585 = vector.shape_cast %broadcast_in_dim3A_584 : vector<16x1xi32> to vector<16xi32>
        %gather3A_586 = tpu.dynamic_gather %get3A_130[%gather3A_585] in [0] : vector<16xf32>, vector<16xi32> -> vector<16xf32>
        %lt3A_587 = arith.constant 0 : i32
        %lt3A_588 = vector.broadcast %lt3A_587 : i32 to vector<16xi32>
        %lt3A_589 = arith.cmpi slt, %broadcast_in_dim3A_576, %lt3A_588 : vector<16xi32>
        %add3A_590 = arith.constant 16 : i32
        %add3A_591 = vector.broadcast %add3A_590 : i32 to vector<16xi32>
        %add3A_592 = arith.addi %broadcast_in_dim3A_576, %add3A_591 : vector<16xi32>
        %select_n3A_593 = arith.select %lt3A_589, %add3A_592, %broadcast_in_dim3A_576 : vector<16xi1>, vector<16xi32>
        %broadcast_in_dim3A_594 = vector.shape_cast %select_n3A_593 : vector<16xi32> to vector<16x1xi32>
        %gather3A_595 = vector.shape_cast %broadcast_in_dim3A_594 : vector<16x1xi32> to vector<16xi32>
        %gather3A_596 = tpu.dynamic_gather %get3A_133[%gather3A_595] in [0] : vector<16xf32>, vector<16xi32> -> vector<16xf32>
        %sub3A_597 = arith.subf %gather3A_586, %get3A_39 : vector<16xf32>
        %sub3A_598 = arith.subf %gather3A_596, %get3A_44 : vector<16xf32>
        %mul3A_599 = arith.mulf %sub3A_597, %sub3A_597 : vector<16xf32>
        %mul3A_600 = arith.mulf %sub3A_598, %sub3A_598 : vector<16xf32>
        %add3A_601 = arith.addf %mul3A_599, %mul3A_600 : vector<16xf32>
        %add3A_602 = arith.constant 12 : i32
        %add3A_603 = arith.addi %mul3A_127, %add3A_602 : i32
        %mul3A_604 = arith.constant 16 : i32
        %mul3A_605 = arith.muli %add3A_603, %mul3A_604 : i32
        %swap3A_606 = arith.index_cast %mul3A_605 : i32 to index
        %swap3A_607 = tpu.vector_load %arg11[%swap3A_606] {strides = array<i32>} : memref<16384xf32, #tpu.memory_space<vmem>>, vector<16xf32>,
        %swap3A_608 = vector.shape_cast %swap3A_607 : vector<16xf32> to vector<16xf32>
        %swap3A_609 = vector.shape_cast %add3A_601 : vector<16xf32> to vector<16xf32>
        tpu.vector_store %arg11[%swap3A_606], %swap3A_609 {strides = array<i32>} : memref<16384xf32, #tpu.memory_space<vmem>>, vector<16xf32>,
        %min3A_610 = arith.minimumf %min3A_573, %add3A_601 : vector<16xf32>
        %max3A_611 = arith.maximumf %max3A_574, %add3A_601 : vector<16xf32>
        %broadcast_in_dim3A_612 = arith.constant 13 : i32
        %broadcast_in_dim3A_613 = vector.broadcast %broadcast_in_dim3A_612 : i32 to vector<16xi32>
        %lt3A_614 = arith.constant 0 : i32
        %lt3A_615 = vector.broadcast %lt3A_614 : i32 to vector<16xi32>
        %lt3A_616 = arith.cmpi slt, %broadcast_in_dim3A_613, %lt3A_615 : vector<16xi32>
        %add3A_617 = arith.constant 16 : i32
        %add3A_618 = vector.broadcast %add3A_617 : i32 to vector<16xi32>
        %add3A_619 = arith.addi %broadcast_in_dim3A_613, %add3A_618 : vector<16xi32>
        %select_n3A_620 = arith.select %lt3A_616, %add3A_619, %broadcast_in_dim3A_613 : vector<16xi1>, vector<16xi32>
        %broadcast_in_dim3A_621 = vector.shape_cast %select_n3A_620 : vector<16xi32> to vector<16x1xi32>
        %gather3A_622 = vector.shape_cast %broadcast_in_dim3A_621 : vector<16x1xi32> to vector<16xi32>
        %gather3A_623 = tpu.dynamic_gather %get3A_130[%gather3A_622] in [0] : vector<16xf32>, vector<16xi32> -> vector<16xf32>
        %lt3A_624 = arith.constant 0 : i32
        %lt3A_625 = vector.broadcast %lt3A_624 : i32 to vector<16xi32>
        %lt3A_626 = arith.cmpi slt, %broadcast_in_dim3A_613, %lt3A_625 : vector<16xi32>
        %add3A_627 = arith.constant 16 : i32
        %add3A_628 = vector.broadcast %add3A_627 : i32 to vector<16xi32>
        %add3A_629 = arith.addi %broadcast_in_dim3A_613, %add3A_628 : vector<16xi32>
        %select_n3A_630 = arith.select %lt3A_626, %add3A_629, %broadcast_in_dim3A_613 : vector<16xi1>, vector<16xi32>
        %broadcast_in_dim3A_631 = vector.shape_cast %select_n3A_630 : vector<16xi32> to vector<16x1xi32>
        %gather3A_632 = vector.shape_cast %broadcast_in_dim3A_631 : vector<16x1xi32> to vector<16xi32>
        %gather3A_633 = tpu.dynamic_gather %get3A_133[%gather3A_632] in [0] : vector<16xf32>, vector<16xi32> -> vector<16xf32>
        %sub3A_634 = arith.subf %gather3A_623, %get3A_39 : vector<16xf32>
        %sub3A_635 = arith.subf %gather3A_633, %get3A_44 : vector<16xf32>
        %mul3A_636 = arith.mulf %sub3A_634, %sub3A_634 : vector<16xf32>
        %mul3A_637 = arith.mulf %sub3A_635, %sub3A_635 : vector<16xf32>
        %add3A_638 = arith.addf %mul3A_636, %mul3A_637 : vector<16xf32>
        %add3A_639 = arith.constant 13 : i32
        %add3A_640 = arith.addi %mul3A_127, %add3A_639 : i32
        %mul3A_641 = arith.constant 16 : i32
        %mul3A_642 = arith.muli %add3A_640, %mul3A_641 : i32
        %swap3A_643 = arith.index_cast %mul3A_642 : i32 to index
        %swap3A_644 = tpu.vector_load %arg11[%swap3A_643] {strides = array<i32>} : memref<16384xf32, #tpu.memory_space<vmem>>, vector<16xf32>,
        %swap3A_645 = vector.shape_cast %swap3A_644 : vector<16xf32> to vector<16xf32>
        %swap3A_646 = vector.shape_cast %add3A_638 : vector<16xf32> to vector<16xf32>
        tpu.vector_store %arg11[%swap3A_643], %swap3A_646 {strides = array<i32>} : memref<16384xf32, #tpu.memory_space<vmem>>, vector<16xf32>,
        %min3A_647 = arith.minimumf %min3A_610, %add3A_638 : vector<16xf32>
        %max3A_648 = arith.maximumf %max3A_611, %add3A_638 : vector<16xf32>
        %broadcast_in_dim3A_649 = arith.constant 14 : i32
        %broadcast_in_dim3A_650 = vector.broadcast %broadcast_in_dim3A_649 : i32 to vector<16xi32>
        %lt3A_651 = arith.constant 0 : i32
        %lt3A_652 = vector.broadcast %lt3A_651 : i32 to vector<16xi32>
        %lt3A_653 = arith.cmpi slt, %broadcast_in_dim3A_650, %lt3A_652 : vector<16xi32>
        %add3A_654 = arith.constant 16 : i32
        %add3A_655 = vector.broadcast %add3A_654 : i32 to vector<16xi32>
        %add3A_656 = arith.addi %broadcast_in_dim3A_650, %add3A_655 : vector<16xi32>
        %select_n3A_657 = arith.select %lt3A_653, %add3A_656, %broadcast_in_dim3A_650 : vector<16xi1>, vector<16xi32>
        %broadcast_in_dim3A_658 = vector.shape_cast %select_n3A_657 : vector<16xi32> to vector<16x1xi32>
        %gather3A_659 = vector.shape_cast %broadcast_in_dim3A_658 : vector<16x1xi32> to vector<16xi32>
        %gather3A_660 = tpu.dynamic_gather %get3A_130[%gather3A_659] in [0] : vector<16xf32>, vector<16xi32> -> vector<16xf32>
        %lt3A_661 = arith.constant 0 : i32
        %lt3A_662 = vector.broadcast %lt3A_661 : i32 to vector<16xi32>
        %lt3A_663 = arith.cmpi slt, %broadcast_in_dim3A_650, %lt3A_662 : vector<16xi32>
        %add3A_664 = arith.constant 16 : i32
        %add3A_665 = vector.broadcast %add3A_664 : i32 to vector<16xi32>
        %add3A_666 = arith.addi %broadcast_in_dim3A_650, %add3A_665 : vector<16xi32>
        %select_n3A_667 = arith.select %lt3A_663, %add3A_666, %broadcast_in_dim3A_650 : vector<16xi1>, vector<16xi32>
        %broadcast_in_dim3A_668 = vector.shape_cast %select_n3A_667 : vector<16xi32> to vector<16x1xi32>
        %gather3A_669 = vector.shape_cast %broadcast_in_dim3A_668 : vector<16x1xi32> to vector<16xi32>
        %gather3A_670 = tpu.dynamic_gather %get3A_133[%gather3A_669] in [0] : vector<16xf32>, vector<16xi32> -> vector<16xf32>
        %sub3A_671 = arith.subf %gather3A_660, %get3A_39 : vector<16xf32>
        %sub3A_672 = arith.subf %gather3A_670, %get3A_44 : vector<16xf32>
        %mul3A_673 = arith.mulf %sub3A_671, %sub3A_671 : vector<16xf32>
        %mul3A_674 = arith.mulf %sub3A_672, %sub3A_672 : vector<16xf32>
        %add3A_675 = arith.addf %mul3A_673, %mul3A_674 : vector<16xf32>
        %add3A_676 = arith.constant 14 : i32
        %add3A_677 = arith.addi %mul3A_127, %add3A_676 : i32
        %mul3A_678 = arith.constant 16 : i32
        %mul3A_679 = arith.muli %add3A_677, %mul3A_678 : i32
        %swap3A_680 = arith.index_cast %mul3A_679 : i32 to index
        %swap3A_681 = tpu.vector_load %arg11[%swap3A_680] {strides = array<i32>} : memref<16384xf32, #tpu.memory_space<vmem>>, vector<16xf32>,
        %swap3A_682 = vector.shape_cast %swap3A_681 : vector<16xf32> to vector<16xf32>
        %swap3A_683 = vector.shape_cast %add3A_675 : vector<16xf32> to vector<16xf32>
        tpu.vector_store %arg11[%swap3A_680], %swap3A_683 {strides = array<i32>} : memref<16384xf32, #tpu.memory_space<vmem>>, vector<16xf32>,
        %min3A_684 = arith.minimumf %min3A_647, %add3A_675 : vector<16xf32>
        %max3A_685 = arith.maximumf %max3A_648, %add3A_675 : vector<16xf32>
        %broadcast_in_dim3A_686 = arith.constant 15 : i32
        %broadcast_in_dim3A_687 = vector.broadcast %broadcast_in_dim3A_686 : i32 to vector<16xi32>
        %lt3A_688 = arith.constant 0 : i32
        %lt3A_689 = vector.broadcast %lt3A_688 : i32 to vector<16xi32>
        %lt3A_690 = arith.cmpi slt, %broadcast_in_dim3A_687, %lt3A_689 : vector<16xi32>
        %add3A_691 = arith.constant 16 : i32
        %add3A_692 = vector.broadcast %add3A_691 : i32 to vector<16xi32>
        %add3A_693 = arith.addi %broadcast_in_dim3A_687, %add3A_692 : vector<16xi32>
        %select_n3A_694 = arith.select %lt3A_690, %add3A_693, %broadcast_in_dim3A_687 : vector<16xi1>, vector<16xi32>
        %broadcast_in_dim3A_695 = vector.shape_cast %select_n3A_694 : vector<16xi32> to vector<16x1xi32>
        %gather3A_696 = vector.shape_cast %broadcast_in_dim3A_695 : vector<16x1xi32> to vector<16xi32>
        %gather3A_697 = tpu.dynamic_gather %get3A_130[%gather3A_696] in [0] : vector<16xf32>, vector<16xi32> -> vector<16xf32>
        %lt3A_698 = arith.constant 0 : i32
        %lt3A_699 = vector.broadcast %lt3A_698 : i32 to vector<16xi32>
        %lt3A_700 = arith.cmpi slt, %broadcast_in_dim3A_687, %lt3A_699 : vector<16xi32>
        %add3A_701 = arith.constant 16 : i32
        %add3A_702 = vector.broadcast %add3A_701 : i32 to vector<16xi32>
        %add3A_703 = arith.addi %broadcast_in_dim3A_687, %add3A_702 : vector<16xi32>
        %select_n3A_704 = arith.select %lt3A_700, %add3A_703, %broadcast_in_dim3A_687 : vector<16xi1>, vector<16xi32>
        %broadcast_in_dim3A_705 = vector.shape_cast %select_n3A_704 : vector<16xi32> to vector<16x1xi32>
        %gather3A_706 = vector.shape_cast %broadcast_in_dim3A_705 : vector<16x1xi32> to vector<16xi32>
        %gather3A_707 = tpu.dynamic_gather %get3A_133[%gather3A_706] in [0] : vector<16xf32>, vector<16xi32> -> vector<16xf32>
        %sub3A_708 = arith.subf %gather3A_697, %get3A_39 : vector<16xf32>
        %sub3A_709 = arith.subf %gather3A_707, %get3A_44 : vector<16xf32>
        %mul3A_710 = arith.mulf %sub3A_708, %sub3A_708 : vector<16xf32>
        %mul3A_711 = arith.mulf %sub3A_709, %sub3A_709 : vector<16xf32>
        %add3A_712 = arith.addf %mul3A_710, %mul3A_711 : vector<16xf32>
        %add3A_713 = arith.constant 15 : i32
        %add3A_714 = arith.addi %mul3A_127, %add3A_713 : i32
        %mul3A_715 = arith.constant 16 : i32
        %mul3A_716 = arith.muli %add3A_714, %mul3A_715 : i32
        %swap3A_717 = arith.index_cast %mul3A_716 : i32 to index
        %swap3A_718 = tpu.vector_load %arg11[%swap3A_717] {strides = array<i32>} : memref<16384xf32, #tpu.memory_space<vmem>>, vector<16xf32>,
        %swap3A_719 = vector.shape_cast %swap3A_718 : vector<16xf32> to vector<16xf32>
        %swap3A_720 = vector.shape_cast %add3A_712 : vector<16xf32> to vector<16xf32>
        tpu.vector_store %arg11[%swap3A_717], %swap3A_720 {strides = array<i32>} : memref<16384xf32, #tpu.memory_space<vmem>>, vector<16xf32>,
        %min3A_721 = arith.minimumf %min3A_684, %add3A_712 : vector<16xf32>
        %max3A_722 = arith.maximumf %max3A_685, %add3A_712 : vector<16xf32>
        scf.yield %min3A_721, %max3A_722 : vector<16xf32>, vector<16xf32>
      }
      %scan3A_53 = arith.constant 64 : i32
      %bitcast_convert_type3A = tpu.bitcast %scan3A_52#0 : vector<16xf32> -> vector<16xi32>
      %bitcast_convert_type3A_54 = tpu.bitcast %scan3A_52#1 : vector<16xf32> -> vector<16xi32>
      %scan3A_55 = arith.constant 0 : i32
      %scan3A_56 = arith.constant 12 : i32
      %scan3A_57 = arith.addi %scan3A_55, %scan3A_56 : i32
      %scan3A_58 = arith.constant 1 : i32
      %scan3A_59:2 = scf.for %scan3A_123 = %scan3A_55 to %scan3A_57 step %scan3A_58 iter_args(%scan3A_124 = %bitcast_convert_type3A, %scan3A_125 = %bitcast_convert_type3A_54) -> (vector<16xi32>, vector<16xi32>)  : i32 {
        %sub3A_126 = arith.subi %scan3A_125, %scan3A_124 : vector<16xi32>
        %shift_right_logical3A_127 = arith.constant 1 : i32
        %shift_right_logical3A_128 = vector.broadcast %shift_right_logical3A_127 : i32 to vector<16xi32>
        %shift_right_logical3A_129 = arith.shrui %sub3A_126, %shift_right_logical3A_128 : vector<16xi32>
        %add3A_130 = arith.addi %scan3A_124, %shift_right_logical3A_129 : vector<16xi32>
        %broadcast_in_dim3A_131 = arith.constant 0 : i32
        %broadcast_in_dim3A_132 = vector.broadcast %broadcast_in_dim3A_131 : i32 to vector<16xi32>
        %scan3A_133 = arith.constant 0 : i32
        %scan3A_134 = arith.constant 64 : i32
        %scan3A_135 = arith.addi %scan3A_133, %scan3A_134 : i32
        %scan3A_136 = arith.constant 1 : i32
        %scan3A_137 = scf.for %scan3A_146 = %scan3A_133 to %scan3A_135 step %scan3A_136 iter_args(%scan3A_147 = %broadcast_in_dim3A_132) -> (vector<16xi32>)  : i32 {
          %mul3A_148 = arith.constant 16 : i32
          %mul3A_149 = arith.muli %scan3A_146, %mul3A_148 : i32
          %add3A_150 = arith.constant 0 : i32
          %add3A_151 = arith.addi %mul3A_149, %add3A_150 : i32
          %mul3A_152 = arith.constant 16 : i32
          %mul3A_153 = arith.muli %add3A_151, %mul3A_152 : i32
          %get3A_154 = arith.index_cast %mul3A_153 : i32 to index
          %get3A_155 = tpu.vector_load %arg11[%get3A_154] {strides = array<i32>} : memref<16384xf32, #tpu.memory_space<vmem>>, vector<16xf32>,
          %get3A_156 = vector.shape_cast %get3A_155 : vector<16xf32> to vector<16xf32>
          %bitcast_convert_type3A_157 = tpu.bitcast %get3A_156 : vector<16xf32> -> vector<16xi32>
          %le3A = arith.cmpi sle, %bitcast_convert_type3A_157, %add3A_130 : vector<16xi32>
          %jit3A_158 = arith.constant 1 : i32
          %jit3A_159 = arith.constant 0 : i32
          %broadcast_in_dim3A_160 = vector.broadcast %jit3A_158 : i32 to vector<16xi32>
          %broadcast_in_dim3A_161 = vector.broadcast %jit3A_159 : i32 to vector<16xi32>
          %select_n3A_162 = arith.select %le3A, %broadcast_in_dim3A_160, %broadcast_in_dim3A_161 : vector<16xi1>, vector<16xi32>
          %add3A_163 = arith.addi %scan3A_147, %select_n3A_162 : vector<16xi32>
          %mul3A_164 = arith.constant 16 : i32
          %mul3A_165 = arith.muli %scan3A_146, %mul3A_164 : i32
          %add3A_166 = arith.constant 1 : i32
          %add3A_167 = arith.addi %mul3A_165, %add3A_166 : i32
          %mul3A_168 = arith.constant 16 : i32
          %mul3A_169 = arith.muli %add3A_167, %mul3A_168 : i32
          %get3A_170 = arith.index_cast %mul3A_169 : i32 to index
          %get3A_171 = tpu.vector_load %arg11[%get3A_170] {strides = array<i32>} : memref<16384xf32, #tpu.memory_space<vmem>>, vector<16xf32>,
          %get3A_172 = vector.shape_cast %get3A_171 : vector<16xf32> to vector<16xf32>
          %bitcast_convert_type3A_173 = tpu.bitcast %get3A_172 : vector<16xf32> -> vector<16xi32>
          %le3A_174 = arith.cmpi sle, %bitcast_convert_type3A_173, %add3A_130 : vector<16xi32>
          %jit3A_175 = arith.constant 1 : i32
          %jit3A_176 = arith.constant 0 : i32
          %broadcast_in_dim3A_177 = vector.broadcast %jit3A_175 : i32 to vector<16xi32>
          %broadcast_in_dim3A_178 = vector.broadcast %jit3A_176 : i32 to vector<16xi32>
          %select_n3A_179 = arith.select %le3A_174, %broadcast_in_dim3A_177, %broadcast_in_dim3A_178 : vector<16xi1>, vector<16xi32>
          %add3A_180 = arith.addi %add3A_163, %select_n3A_179 : vector<16xi32>
          %mul3A_181 = arith.constant 16 : i32
          %mul3A_182 = arith.muli %scan3A_146, %mul3A_181 : i32
          %add3A_183 = arith.constant 2 : i32
          %add3A_184 = arith.addi %mul3A_182, %add3A_183 : i32
          %mul3A_185 = arith.constant 16 : i32
          %mul3A_186 = arith.muli %add3A_184, %mul3A_185 : i32
          %get3A_187 = arith.index_cast %mul3A_186 : i32 to index
          %get3A_188 = tpu.vector_load %arg11[%get3A_187] {strides = array<i32>} : memref<16384xf32, #tpu.memory_space<vmem>>, vector<16xf32>,
          %get3A_189 = vector.shape_cast %get3A_188 : vector<16xf32> to vector<16xf32>
          %bitcast_convert_type3A_190 = tpu.bitcast %get3A_189 : vector<16xf32> -> vector<16xi32>
          %le3A_191 = arith.cmpi sle, %bitcast_convert_type3A_190, %add3A_130 : vector<16xi32>
          %jit3A_192 = arith.constant 1 : i32
          %jit3A_193 = arith.constant 0 : i32
          %broadcast_in_dim3A_194 = vector.broadcast %jit3A_192 : i32 to vector<16xi32>
          %broadcast_in_dim3A_195 = vector.broadcast %jit3A_193 : i32 to vector<16xi32>
          %select_n3A_196 = arith.select %le3A_191, %broadcast_in_dim3A_194, %broadcast_in_dim3A_195 : vector<16xi1>, vector<16xi32>
          %add3A_197 = arith.addi %add3A_180, %select_n3A_196 : vector<16xi32>
          %mul3A_198 = arith.constant 16 : i32
          %mul3A_199 = arith.muli %scan3A_146, %mul3A_198 : i32
          %add3A_200 = arith.constant 3 : i32
          %add3A_201 = arith.addi %mul3A_199, %add3A_200 : i32
          %mul3A_202 = arith.constant 16 : i32
          %mul3A_203 = arith.muli %add3A_201, %mul3A_202 : i32
          %get3A_204 = arith.index_cast %mul3A_203 : i32 to index
          %get3A_205 = tpu.vector_load %arg11[%get3A_204] {strides = array<i32>} : memref<16384xf32, #tpu.memory_space<vmem>>, vector<16xf32>,
          %get3A_206 = vector.shape_cast %get3A_205 : vector<16xf32> to vector<16xf32>
          %bitcast_convert_type3A_207 = tpu.bitcast %get3A_206 : vector<16xf32> -> vector<16xi32>
          %le3A_208 = arith.cmpi sle, %bitcast_convert_type3A_207, %add3A_130 : vector<16xi32>
          %jit3A_209 = arith.constant 1 : i32
          %jit3A_210 = arith.constant 0 : i32
          %broadcast_in_dim3A_211 = vector.broadcast %jit3A_209 : i32 to vector<16xi32>
          %broadcast_in_dim3A_212 = vector.broadcast %jit3A_210 : i32 to vector<16xi32>
          %select_n3A_213 = arith.select %le3A_208, %broadcast_in_dim3A_211, %broadcast_in_dim3A_212 : vector<16xi1>, vector<16xi32>
          %add3A_214 = arith.addi %add3A_197, %select_n3A_213 : vector<16xi32>
          %mul3A_215 = arith.constant 16 : i32
          %mul3A_216 = arith.muli %scan3A_146, %mul3A_215 : i32
          %add3A_217 = arith.constant 4 : i32
          %add3A_218 = arith.addi %mul3A_216, %add3A_217 : i32
          %mul3A_219 = arith.constant 16 : i32
          %mul3A_220 = arith.muli %add3A_218, %mul3A_219 : i32
          %get3A_221 = arith.index_cast %mul3A_220 : i32 to index
          %get3A_222 = tpu.vector_load %arg11[%get3A_221] {strides = array<i32>} : memref<16384xf32, #tpu.memory_space<vmem>>, vector<16xf32>,
          %get3A_223 = vector.shape_cast %get3A_222 : vector<16xf32> to vector<16xf32>
          %bitcast_convert_type3A_224 = tpu.bitcast %get3A_223 : vector<16xf32> -> vector<16xi32>
          %le3A_225 = arith.cmpi sle, %bitcast_convert_type3A_224, %add3A_130 : vector<16xi32>
          %jit3A_226 = arith.constant 1 : i32
          %jit3A_227 = arith.constant 0 : i32
          %broadcast_in_dim3A_228 = vector.broadcast %jit3A_226 : i32 to vector<16xi32>
          %broadcast_in_dim3A_229 = vector.broadcast %jit3A_227 : i32 to vector<16xi32>
          %select_n3A_230 = arith.select %le3A_225, %broadcast_in_dim3A_228, %broadcast_in_dim3A_229 : vector<16xi1>, vector<16xi32>
          %add3A_231 = arith.addi %add3A_214, %select_n3A_230 : vector<16xi32>
          %mul3A_232 = arith.constant 16 : i32
          %mul3A_233 = arith.muli %scan3A_146, %mul3A_232 : i32
          %add3A_234 = arith.constant 5 : i32
          %add3A_235 = arith.addi %mul3A_233, %add3A_234 : i32
          %mul3A_236 = arith.constant 16 : i32
          %mul3A_237 = arith.muli %add3A_235, %mul3A_236 : i32
          %get3A_238 = arith.index_cast %mul3A_237 : i32 to index
          %get3A_239 = tpu.vector_load %arg11[%get3A_238] {strides = array<i32>} : memref<16384xf32, #tpu.memory_space<vmem>>, vector<16xf32>,
          %get3A_240 = vector.shape_cast %get3A_239 : vector<16xf32> to vector<16xf32>
          %bitcast_convert_type3A_241 = tpu.bitcast %get3A_240 : vector<16xf32> -> vector<16xi32>
          %le3A_242 = arith.cmpi sle, %bitcast_convert_type3A_241, %add3A_130 : vector<16xi32>
          %jit3A_243 = arith.constant 1 : i32
          %jit3A_244 = arith.constant 0 : i32
          %broadcast_in_dim3A_245 = vector.broadcast %jit3A_243 : i32 to vector<16xi32>
          %broadcast_in_dim3A_246 = vector.broadcast %jit3A_244 : i32 to vector<16xi32>
          %select_n3A_247 = arith.select %le3A_242, %broadcast_in_dim3A_245, %broadcast_in_dim3A_246 : vector<16xi1>, vector<16xi32>
          %add3A_248 = arith.addi %add3A_231, %select_n3A_247 : vector<16xi32>
          %mul3A_249 = arith.constant 16 : i32
          %mul3A_250 = arith.muli %scan3A_146, %mul3A_249 : i32
          %add3A_251 = arith.constant 6 : i32
          %add3A_252 = arith.addi %mul3A_250, %add3A_251 : i32
          %mul3A_253 = arith.constant 16 : i32
          %mul3A_254 = arith.muli %add3A_252, %mul3A_253 : i32
          %get3A_255 = arith.index_cast %mul3A_254 : i32 to index
          %get3A_256 = tpu.vector_load %arg11[%get3A_255] {strides = array<i32>} : memref<16384xf32, #tpu.memory_space<vmem>>, vector<16xf32>,
          %get3A_257 = vector.shape_cast %get3A_256 : vector<16xf32> to vector<16xf32>
          %bitcast_convert_type3A_258 = tpu.bitcast %get3A_257 : vector<16xf32> -> vector<16xi32>
          %le3A_259 = arith.cmpi sle, %bitcast_convert_type3A_258, %add3A_130 : vector<16xi32>
          %jit3A_260 = arith.constant 1 : i32
          %jit3A_261 = arith.constant 0 : i32
          %broadcast_in_dim3A_262 = vector.broadcast %jit3A_260 : i32 to vector<16xi32>
          %broadcast_in_dim3A_263 = vector.broadcast %jit3A_261 : i32 to vector<16xi32>
          %select_n3A_264 = arith.select %le3A_259, %broadcast_in_dim3A_262, %broadcast_in_dim3A_263 : vector<16xi1>, vector<16xi32>
          %add3A_265 = arith.addi %add3A_248, %select_n3A_264 : vector<16xi32>
          %mul3A_266 = arith.constant 16 : i32
          %mul3A_267 = arith.muli %scan3A_146, %mul3A_266 : i32
          %add3A_268 = arith.constant 7 : i32
          %add3A_269 = arith.addi %mul3A_267, %add3A_268 : i32
          %mul3A_270 = arith.constant 16 : i32
          %mul3A_271 = arith.muli %add3A_269, %mul3A_270 : i32
          %get3A_272 = arith.index_cast %mul3A_271 : i32 to index
          %get3A_273 = tpu.vector_load %arg11[%get3A_272] {strides = array<i32>} : memref<16384xf32, #tpu.memory_space<vmem>>, vector<16xf32>,
          %get3A_274 = vector.shape_cast %get3A_273 : vector<16xf32> to vector<16xf32>
          %bitcast_convert_type3A_275 = tpu.bitcast %get3A_274 : vector<16xf32> -> vector<16xi32>
          %le3A_276 = arith.cmpi sle, %bitcast_convert_type3A_275, %add3A_130 : vector<16xi32>
          %jit3A_277 = arith.constant 1 : i32
          %jit3A_278 = arith.constant 0 : i32
          %broadcast_in_dim3A_279 = vector.broadcast %jit3A_277 : i32 to vector<16xi32>
          %broadcast_in_dim3A_280 = vector.broadcast %jit3A_278 : i32 to vector<16xi32>
          %select_n3A_281 = arith.select %le3A_276, %broadcast_in_dim3A_279, %broadcast_in_dim3A_280 : vector<16xi1>, vector<16xi32>
          %add3A_282 = arith.addi %add3A_265, %select_n3A_281 : vector<16xi32>
          %mul3A_283 = arith.constant 16 : i32
          %mul3A_284 = arith.muli %scan3A_146, %mul3A_283 : i32
          %add3A_285 = arith.constant 8 : i32
          %add3A_286 = arith.addi %mul3A_284, %add3A_285 : i32
          %mul3A_287 = arith.constant 16 : i32
          %mul3A_288 = arith.muli %add3A_286, %mul3A_287 : i32
          %get3A_289 = arith.index_cast %mul3A_288 : i32 to index
          %get3A_290 = tpu.vector_load %arg11[%get3A_289] {strides = array<i32>} : memref<16384xf32, #tpu.memory_space<vmem>>, vector<16xf32>,
          %get3A_291 = vector.shape_cast %get3A_290 : vector<16xf32> to vector<16xf32>
          %bitcast_convert_type3A_292 = tpu.bitcast %get3A_291 : vector<16xf32> -> vector<16xi32>
          %le3A_293 = arith.cmpi sle, %bitcast_convert_type3A_292, %add3A_130 : vector<16xi32>
          %jit3A_294 = arith.constant 1 : i32
          %jit3A_295 = arith.constant 0 : i32
          %broadcast_in_dim3A_296 = vector.broadcast %jit3A_294 : i32 to vector<16xi32>
          %broadcast_in_dim3A_297 = vector.broadcast %jit3A_295 : i32 to vector<16xi32>
          %select_n3A_298 = arith.select %le3A_293, %broadcast_in_dim3A_296, %broadcast_in_dim3A_297 : vector<16xi1>, vector<16xi32>
          %add3A_299 = arith.addi %add3A_282, %select_n3A_298 : vector<16xi32>
          %mul3A_300 = arith.constant 16 : i32
          %mul3A_301 = arith.muli %scan3A_146, %mul3A_300 : i32
          %add3A_302 = arith.constant 9 : i32
          %add3A_303 = arith.addi %mul3A_301, %add3A_302 : i32
          %mul3A_304 = arith.constant 16 : i32
          %mul3A_305 = arith.muli %add3A_303, %mul3A_304 : i32
          %get3A_306 = arith.index_cast %mul3A_305 : i32 to index
          %get3A_307 = tpu.vector_load %arg11[%get3A_306] {strides = array<i32>} : memref<16384xf32, #tpu.memory_space<vmem>>, vector<16xf32>,
          %get3A_308 = vector.shape_cast %get3A_307 : vector<16xf32> to vector<16xf32>
          %bitcast_convert_type3A_309 = tpu.bitcast %get3A_308 : vector<16xf32> -> vector<16xi32>
          %le3A_310 = arith.cmpi sle, %bitcast_convert_type3A_309, %add3A_130 : vector<16xi32>
          %jit3A_311 = arith.constant 1 : i32
          %jit3A_312 = arith.constant 0 : i32
          %broadcast_in_dim3A_313 = vector.broadcast %jit3A_311 : i32 to vector<16xi32>
          %broadcast_in_dim3A_314 = vector.broadcast %jit3A_312 : i32 to vector<16xi32>
          %select_n3A_315 = arith.select %le3A_310, %broadcast_in_dim3A_313, %broadcast_in_dim3A_314 : vector<16xi1>, vector<16xi32>
          %add3A_316 = arith.addi %add3A_299, %select_n3A_315 : vector<16xi32>
          %mul3A_317 = arith.constant 16 : i32
          %mul3A_318 = arith.muli %scan3A_146, %mul3A_317 : i32
          %add3A_319 = arith.constant 10 : i32
          %add3A_320 = arith.addi %mul3A_318, %add3A_319 : i32
          %mul3A_321 = arith.constant 16 : i32
          %mul3A_322 = arith.muli %add3A_320, %mul3A_321 : i32
          %get3A_323 = arith.index_cast %mul3A_322 : i32 to index
          %get3A_324 = tpu.vector_load %arg11[%get3A_323] {strides = array<i32>} : memref<16384xf32, #tpu.memory_space<vmem>>, vector<16xf32>,
          %get3A_325 = vector.shape_cast %get3A_324 : vector<16xf32> to vector<16xf32>
          %bitcast_convert_type3A_326 = tpu.bitcast %get3A_325 : vector<16xf32> -> vector<16xi32>
          %le3A_327 = arith.cmpi sle, %bitcast_convert_type3A_326, %add3A_130 : vector<16xi32>
          %jit3A_328 = arith.constant 1 : i32
          %jit3A_329 = arith.constant 0 : i32
          %broadcast_in_dim3A_330 = vector.broadcast %jit3A_328 : i32 to vector<16xi32>
          %broadcast_in_dim3A_331 = vector.broadcast %jit3A_329 : i32 to vector<16xi32>
          %select_n3A_332 = arith.select %le3A_327, %broadcast_in_dim3A_330, %broadcast_in_dim3A_331 : vector<16xi1>, vector<16xi32>
          %add3A_333 = arith.addi %add3A_316, %select_n3A_332 : vector<16xi32>
          %mul3A_334 = arith.constant 16 : i32
          %mul3A_335 = arith.muli %scan3A_146, %mul3A_334 : i32
          %add3A_336 = arith.constant 11 : i32
          %add3A_337 = arith.addi %mul3A_335, %add3A_336 : i32
          %mul3A_338 = arith.constant 16 : i32
          %mul3A_339 = arith.muli %add3A_337, %mul3A_338 : i32
          %get3A_340 = arith.index_cast %mul3A_339 : i32 to index
          %get3A_341 = tpu.vector_load %arg11[%get3A_340] {strides = array<i32>} : memref<16384xf32, #tpu.memory_space<vmem>>, vector<16xf32>,
          %get3A_342 = vector.shape_cast %get3A_341 : vector<16xf32> to vector<16xf32>
          %bitcast_convert_type3A_343 = tpu.bitcast %get3A_342 : vector<16xf32> -> vector<16xi32>
          %le3A_344 = arith.cmpi sle, %bitcast_convert_type3A_343, %add3A_130 : vector<16xi32>
          %jit3A_345 = arith.constant 1 : i32
          %jit3A_346 = arith.constant 0 : i32
          %broadcast_in_dim3A_347 = vector.broadcast %jit3A_345 : i32 to vector<16xi32>
          %broadcast_in_dim3A_348 = vector.broadcast %jit3A_346 : i32 to vector<16xi32>
          %select_n3A_349 = arith.select %le3A_344, %broadcast_in_dim3A_347, %broadcast_in_dim3A_348 : vector<16xi1>, vector<16xi32>
          %add3A_350 = arith.addi %add3A_333, %select_n3A_349 : vector<16xi32>
          %mul3A_351 = arith.constant 16 : i32
          %mul3A_352 = arith.muli %scan3A_146, %mul3A_351 : i32
          %add3A_353 = arith.constant 12 : i32
          %add3A_354 = arith.addi %mul3A_352, %add3A_353 : i32
          %mul3A_355 = arith.constant 16 : i32
          %mul3A_356 = arith.muli %add3A_354, %mul3A_355 : i32
          %get3A_357 = arith.index_cast %mul3A_356 : i32 to index
          %get3A_358 = tpu.vector_load %arg11[%get3A_357] {strides = array<i32>} : memref<16384xf32, #tpu.memory_space<vmem>>, vector<16xf32>,
          %get3A_359 = vector.shape_cast %get3A_358 : vector<16xf32> to vector<16xf32>
          %bitcast_convert_type3A_360 = tpu.bitcast %get3A_359 : vector<16xf32> -> vector<16xi32>
          %le3A_361 = arith.cmpi sle, %bitcast_convert_type3A_360, %add3A_130 : vector<16xi32>
          %jit3A_362 = arith.constant 1 : i32
          %jit3A_363 = arith.constant 0 : i32
          %broadcast_in_dim3A_364 = vector.broadcast %jit3A_362 : i32 to vector<16xi32>
          %broadcast_in_dim3A_365 = vector.broadcast %jit3A_363 : i32 to vector<16xi32>
          %select_n3A_366 = arith.select %le3A_361, %broadcast_in_dim3A_364, %broadcast_in_dim3A_365 : vector<16xi1>, vector<16xi32>
          %add3A_367 = arith.addi %add3A_350, %select_n3A_366 : vector<16xi32>
          %mul3A_368 = arith.constant 16 : i32
          %mul3A_369 = arith.muli %scan3A_146, %mul3A_368 : i32
          %add3A_370 = arith.constant 13 : i32
          %add3A_371 = arith.addi %mul3A_369, %add3A_370 : i32
          %mul3A_372 = arith.constant 16 : i32
          %mul3A_373 = arith.muli %add3A_371, %mul3A_372 : i32
          %get3A_374 = arith.index_cast %mul3A_373 : i32 to index
          %get3A_375 = tpu.vector_load %arg11[%get3A_374] {strides = array<i32>} : memref<16384xf32, #tpu.memory_space<vmem>>, vector<16xf32>,
          %get3A_376 = vector.shape_cast %get3A_375 : vector<16xf32> to vector<16xf32>
          %bitcast_convert_type3A_377 = tpu.bitcast %get3A_376 : vector<16xf32> -> vector<16xi32>
          %le3A_378 = arith.cmpi sle, %bitcast_convert_type3A_377, %add3A_130 : vector<16xi32>
          %jit3A_379 = arith.constant 1 : i32
          %jit3A_380 = arith.constant 0 : i32
          %broadcast_in_dim3A_381 = vector.broadcast %jit3A_379 : i32 to vector<16xi32>
          %broadcast_in_dim3A_382 = vector.broadcast %jit3A_380 : i32 to vector<16xi32>
          %select_n3A_383 = arith.select %le3A_378, %broadcast_in_dim3A_381, %broadcast_in_dim3A_382 : vector<16xi1>, vector<16xi32>
          %add3A_384 = arith.addi %add3A_367, %select_n3A_383 : vector<16xi32>
          %mul3A_385 = arith.constant 16 : i32
          %mul3A_386 = arith.muli %scan3A_146, %mul3A_385 : i32
          %add3A_387 = arith.constant 14 : i32
          %add3A_388 = arith.addi %mul3A_386, %add3A_387 : i32
          %mul3A_389 = arith.constant 16 : i32
          %mul3A_390 = arith.muli %add3A_388, %mul3A_389 : i32
          %get3A_391 = arith.index_cast %mul3A_390 : i32 to index
          %get3A_392 = tpu.vector_load %arg11[%get3A_391] {strides = array<i32>} : memref<16384xf32, #tpu.memory_space<vmem>>, vector<16xf32>,
          %get3A_393 = vector.shape_cast %get3A_392 : vector<16xf32> to vector<16xf32>
          %bitcast_convert_type3A_394 = tpu.bitcast %get3A_393 : vector<16xf32> -> vector<16xi32>
          %le3A_395 = arith.cmpi sle, %bitcast_convert_type3A_394, %add3A_130 : vector<16xi32>
          %jit3A_396 = arith.constant 1 : i32
          %jit3A_397 = arith.constant 0 : i32
          %broadcast_in_dim3A_398 = vector.broadcast %jit3A_396 : i32 to vector<16xi32>
          %broadcast_in_dim3A_399 = vector.broadcast %jit3A_397 : i32 to vector<16xi32>
          %select_n3A_400 = arith.select %le3A_395, %broadcast_in_dim3A_398, %broadcast_in_dim3A_399 : vector<16xi1>, vector<16xi32>
          %add3A_401 = arith.addi %add3A_384, %select_n3A_400 : vector<16xi32>
          %mul3A_402 = arith.constant 16 : i32
          %mul3A_403 = arith.muli %scan3A_146, %mul3A_402 : i32
          %add3A_404 = arith.constant 15 : i32
          %add3A_405 = arith.addi %mul3A_403, %add3A_404 : i32
          %mul3A_406 = arith.constant 16 : i32
          %mul3A_407 = arith.muli %add3A_405, %mul3A_406 : i32
          %get3A_408 = arith.index_cast %mul3A_407 : i32 to index
          %get3A_409 = tpu.vector_load %arg11[%get3A_408] {strides = array<i32>} : memref<16384xf32, #tpu.memory_space<vmem>>, vector<16xf32>,
          %get3A_410 = vector.shape_cast %get3A_409 : vector<16xf32> to vector<16xf32>
          %bitcast_convert_type3A_411 = tpu.bitcast %get3A_410 : vector<16xf32> -> vector<16xi32>
          %le3A_412 = arith.cmpi sle, %bitcast_convert_type3A_411, %add3A_130 : vector<16xi32>
          %jit3A_413 = arith.constant 1 : i32
          %jit3A_414 = arith.constant 0 : i32
          %broadcast_in_dim3A_415 = vector.broadcast %jit3A_413 : i32 to vector<16xi32>
          %broadcast_in_dim3A_416 = vector.broadcast %jit3A_414 : i32 to vector<16xi32>
          %select_n3A_417 = arith.select %le3A_412, %broadcast_in_dim3A_415, %broadcast_in_dim3A_416 : vector<16xi1>, vector<16xi32>
          %add3A_418 = arith.addi %add3A_401, %select_n3A_417 : vector<16xi32>
          scf.yield %add3A_418 : vector<16xi32>
        }
        %scan3A_138 = arith.constant 64 : i32
        %ge3A = arith.constant 308 : i32
        %ge3A_139 = vector.broadcast %ge3A : i32 to vector<16xi32>
        %ge3A_140 = arith.cmpi sge, %scan3A_137, %ge3A_139 : vector<16xi32>
        %add3A_141 = arith.constant 1 : i32
        %add3A_142 = vector.broadcast %add3A_141 : i32 to vector<16xi32>
        %add3A_143 = arith.addi %add3A_130, %add3A_142 : vector<16xi32>
        %select_n3A_144 = arith.select %ge3A_140, %scan3A_124, %add3A_143 : vector<16xi1>, vector<16xi32>
        %select_n3A_145 = arith.select %ge3A_140, %add3A_130, %scan3A_125 : vector<16xi1>, vector<16xi32>
        scf.yield %select_n3A_144, %select_n3A_145 : vector<16xi32>, vector<16xi32>
      }
      %scan3A_60 = arith.constant 12 : i32
      %bitcast_convert_type3A_61 = tpu.bitcast %scan3A_59#1 : vector<16xi32> -> vector<16xf32>
      %broadcast_in_dim3A_62 = arith.constant 0.000000e+00 : f32
      %broadcast_in_dim3A_63 = vector.broadcast %broadcast_in_dim3A_62 : f32 to vector<16xf32>
      %broadcast_in_dim3A_64 = arith.constant 0.000000e+00 : f32
      %broadcast_in_dim3A_65 = vector.broadcast %broadcast_in_dim3A_64 : f32 to vector<16xf32>
      %scan3A_66 = arith.constant 0 : i32
      %scan3A_67 = arith.constant 64 : i32
      %scan3A_68 = arith.addi %scan3A_66, %scan3A_67 : i32
      %scan3A_69 = arith.constant 1 : i32
      %scan3A_70:2 = scf.for %scan3A_123 = %scan3A_66 to %scan3A_68 step %scan3A_69 iter_args(%scan3A_124 = %broadcast_in_dim3A_63, %scan3A_125 = %broadcast_in_dim3A_65) -> (vector<16xf32>, vector<16xf32>)  : i32 {
        %mul3A_126 = arith.constant 16 : i32
        %mul3A_127 = arith.muli %scan3A_123, %mul3A_126 : i32
        %add3A_128 = arith.constant 0 : i32
        %add3A_129 = arith.addi %mul3A_127, %add3A_128 : i32
        %mul3A_130 = arith.constant 16 : i32
        %mul3A_131 = arith.muli %add3A_129, %mul3A_130 : i32
        %get3A_132 = arith.index_cast %mul3A_131 : i32 to index
        %get3A_133 = tpu.vector_load %arg11[%get3A_132] {strides = array<i32>} : memref<16384xf32, #tpu.memory_space<vmem>>, vector<16xf32>,
        %get3A_134 = vector.shape_cast %get3A_133 : vector<16xf32> to vector<16xf32>
        %lt3A = arith.cmpf olt, %get3A_134, %bitcast_convert_type3A_61 : vector<16xf32>
        %jit3A_135 = arith.constant 1.000000e+00 : f32
        %jit3A_136 = arith.constant 0.000000e+00 : f32
        %broadcast_in_dim3A_137 = vector.broadcast %jit3A_135 : f32 to vector<16xf32>
        %broadcast_in_dim3A_138 = vector.broadcast %jit3A_136 : f32 to vector<16xf32>
        %select_n3A_139 = arith.select %lt3A, %broadcast_in_dim3A_137, %broadcast_in_dim3A_138 : vector<16xi1>, vector<16xf32>
        %add3A_140 = arith.addf %scan3A_124, %select_n3A_139 : vector<16xf32>
        %jit3A_141 = arith.constant 0.000000e+00 : f32
        %broadcast_in_dim3A_142 = vector.broadcast %jit3A_141 : f32 to vector<16xf32>
        %select_n3A_143 = arith.select %lt3A, %get3A_134, %broadcast_in_dim3A_142 : vector<16xi1>, vector<16xf32>
        %add3A_144 = arith.addf %scan3A_125, %select_n3A_143 : vector<16xf32>
        %mul3A_145 = arith.constant 16 : i32
        %mul3A_146 = arith.muli %scan3A_123, %mul3A_145 : i32
        %add3A_147 = arith.constant 1 : i32
        %add3A_148 = arith.addi %mul3A_146, %add3A_147 : i32
        %mul3A_149 = arith.constant 16 : i32
        %mul3A_150 = arith.muli %add3A_148, %mul3A_149 : i32
        %get3A_151 = arith.index_cast %mul3A_150 : i32 to index
        %get3A_152 = tpu.vector_load %arg11[%get3A_151] {strides = array<i32>} : memref<16384xf32, #tpu.memory_space<vmem>>, vector<16xf32>,
        %get3A_153 = vector.shape_cast %get3A_152 : vector<16xf32> to vector<16xf32>
        %lt3A_154 = arith.cmpf olt, %get3A_153, %bitcast_convert_type3A_61 : vector<16xf32>
        %jit3A_155 = arith.constant 1.000000e+00 : f32
        %jit3A_156 = arith.constant 0.000000e+00 : f32
        %broadcast_in_dim3A_157 = vector.broadcast %jit3A_155 : f32 to vector<16xf32>
        %broadcast_in_dim3A_158 = vector.broadcast %jit3A_156 : f32 to vector<16xf32>
        %select_n3A_159 = arith.select %lt3A_154, %broadcast_in_dim3A_157, %broadcast_in_dim3A_158 : vector<16xi1>, vector<16xf32>
        %add3A_160 = arith.addf %add3A_140, %select_n3A_159 : vector<16xf32>
        %jit3A_161 = arith.constant 0.000000e+00 : f32
        %broadcast_in_dim3A_162 = vector.broadcast %jit3A_161 : f32 to vector<16xf32>
        %select_n3A_163 = arith.select %lt3A_154, %get3A_153, %broadcast_in_dim3A_162 : vector<16xi1>, vector<16xf32>
        %add3A_164 = arith.addf %add3A_144, %select_n3A_163 : vector<16xf32>
        %mul3A_165 = arith.constant 16 : i32
        %mul3A_166 = arith.muli %scan3A_123, %mul3A_165 : i32
        %add3A_167 = arith.constant 2 : i32
        %add3A_168 = arith.addi %mul3A_166, %add3A_167 : i32
        %mul3A_169 = arith.constant 16 : i32
        %mul3A_170 = arith.muli %add3A_168, %mul3A_169 : i32
        %get3A_171 = arith.index_cast %mul3A_170 : i32 to index
        %get3A_172 = tpu.vector_load %arg11[%get3A_171] {strides = array<i32>} : memref<16384xf32, #tpu.memory_space<vmem>>, vector<16xf32>,
        %get3A_173 = vector.shape_cast %get3A_172 : vector<16xf32> to vector<16xf32>
        %lt3A_174 = arith.cmpf olt, %get3A_173, %bitcast_convert_type3A_61 : vector<16xf32>
        %jit3A_175 = arith.constant 1.000000e+00 : f32
        %jit3A_176 = arith.constant 0.000000e+00 : f32
        %broadcast_in_dim3A_177 = vector.broadcast %jit3A_175 : f32 to vector<16xf32>
        %broadcast_in_dim3A_178 = vector.broadcast %jit3A_176 : f32 to vector<16xf32>
        %select_n3A_179 = arith.select %lt3A_174, %broadcast_in_dim3A_177, %broadcast_in_dim3A_178 : vector<16xi1>, vector<16xf32>
        %add3A_180 = arith.addf %add3A_160, %select_n3A_179 : vector<16xf32>
        %jit3A_181 = arith.constant 0.000000e+00 : f32
        %broadcast_in_dim3A_182 = vector.broadcast %jit3A_181 : f32 to vector<16xf32>
        %select_n3A_183 = arith.select %lt3A_174, %get3A_173, %broadcast_in_dim3A_182 : vector<16xi1>, vector<16xf32>
        %add3A_184 = arith.addf %add3A_164, %select_n3A_183 : vector<16xf32>
        %mul3A_185 = arith.constant 16 : i32
        %mul3A_186 = arith.muli %scan3A_123, %mul3A_185 : i32
        %add3A_187 = arith.constant 3 : i32
        %add3A_188 = arith.addi %mul3A_186, %add3A_187 : i32
        %mul3A_189 = arith.constant 16 : i32
        %mul3A_190 = arith.muli %add3A_188, %mul3A_189 : i32
        %get3A_191 = arith.index_cast %mul3A_190 : i32 to index
        %get3A_192 = tpu.vector_load %arg11[%get3A_191] {strides = array<i32>} : memref<16384xf32, #tpu.memory_space<vmem>>, vector<16xf32>,
        %get3A_193 = vector.shape_cast %get3A_192 : vector<16xf32> to vector<16xf32>
        %lt3A_194 = arith.cmpf olt, %get3A_193, %bitcast_convert_type3A_61 : vector<16xf32>
        %jit3A_195 = arith.constant 1.000000e+00 : f32
        %jit3A_196 = arith.constant 0.000000e+00 : f32
        %broadcast_in_dim3A_197 = vector.broadcast %jit3A_195 : f32 to vector<16xf32>
        %broadcast_in_dim3A_198 = vector.broadcast %jit3A_196 : f32 to vector<16xf32>
        %select_n3A_199 = arith.select %lt3A_194, %broadcast_in_dim3A_197, %broadcast_in_dim3A_198 : vector<16xi1>, vector<16xf32>
        %add3A_200 = arith.addf %add3A_180, %select_n3A_199 : vector<16xf32>
        %jit3A_201 = arith.constant 0.000000e+00 : f32
        %broadcast_in_dim3A_202 = vector.broadcast %jit3A_201 : f32 to vector<16xf32>
        %select_n3A_203 = arith.select %lt3A_194, %get3A_193, %broadcast_in_dim3A_202 : vector<16xi1>, vector<16xf32>
        %add3A_204 = arith.addf %add3A_184, %select_n3A_203 : vector<16xf32>
        %mul3A_205 = arith.constant 16 : i32
        %mul3A_206 = arith.muli %scan3A_123, %mul3A_205 : i32
        %add3A_207 = arith.constant 4 : i32
        %add3A_208 = arith.addi %mul3A_206, %add3A_207 : i32
        %mul3A_209 = arith.constant 16 : i32
        %mul3A_210 = arith.muli %add3A_208, %mul3A_209 : i32
        %get3A_211 = arith.index_cast %mul3A_210 : i32 to index
        %get3A_212 = tpu.vector_load %arg11[%get3A_211] {strides = array<i32>} : memref<16384xf32, #tpu.memory_space<vmem>>, vector<16xf32>,
        %get3A_213 = vector.shape_cast %get3A_212 : vector<16xf32> to vector<16xf32>
        %lt3A_214 = arith.cmpf olt, %get3A_213, %bitcast_convert_type3A_61 : vector<16xf32>
        %jit3A_215 = arith.constant 1.000000e+00 : f32
        %jit3A_216 = arith.constant 0.000000e+00 : f32
        %broadcast_in_dim3A_217 = vector.broadcast %jit3A_215 : f32 to vector<16xf32>
        %broadcast_in_dim3A_218 = vector.broadcast %jit3A_216 : f32 to vector<16xf32>
        %select_n3A_219 = arith.select %lt3A_214, %broadcast_in_dim3A_217, %broadcast_in_dim3A_218 : vector<16xi1>, vector<16xf32>
        %add3A_220 = arith.addf %add3A_200, %select_n3A_219 : vector<16xf32>
        %jit3A_221 = arith.constant 0.000000e+00 : f32
        %broadcast_in_dim3A_222 = vector.broadcast %jit3A_221 : f32 to vector<16xf32>
        %select_n3A_223 = arith.select %lt3A_214, %get3A_213, %broadcast_in_dim3A_222 : vector<16xi1>, vector<16xf32>
        %add3A_224 = arith.addf %add3A_204, %select_n3A_223 : vector<16xf32>
        %mul3A_225 = arith.constant 16 : i32
        %mul3A_226 = arith.muli %scan3A_123, %mul3A_225 : i32
        %add3A_227 = arith.constant 5 : i32
        %add3A_228 = arith.addi %mul3A_226, %add3A_227 : i32
        %mul3A_229 = arith.constant 16 : i32
        %mul3A_230 = arith.muli %add3A_228, %mul3A_229 : i32
        %get3A_231 = arith.index_cast %mul3A_230 : i32 to index
        %get3A_232 = tpu.vector_load %arg11[%get3A_231] {strides = array<i32>} : memref<16384xf32, #tpu.memory_space<vmem>>, vector<16xf32>,
        %get3A_233 = vector.shape_cast %get3A_232 : vector<16xf32> to vector<16xf32>
        %lt3A_234 = arith.cmpf olt, %get3A_233, %bitcast_convert_type3A_61 : vector<16xf32>
        %jit3A_235 = arith.constant 1.000000e+00 : f32
        %jit3A_236 = arith.constant 0.000000e+00 : f32
        %broadcast_in_dim3A_237 = vector.broadcast %jit3A_235 : f32 to vector<16xf32>
        %broadcast_in_dim3A_238 = vector.broadcast %jit3A_236 : f32 to vector<16xf32>
        %select_n3A_239 = arith.select %lt3A_234, %broadcast_in_dim3A_237, %broadcast_in_dim3A_238 : vector<16xi1>, vector<16xf32>
        %add3A_240 = arith.addf %add3A_220, %select_n3A_239 : vector<16xf32>
        %jit3A_241 = arith.constant 0.000000e+00 : f32
        %broadcast_in_dim3A_242 = vector.broadcast %jit3A_241 : f32 to vector<16xf32>
        %select_n3A_243 = arith.select %lt3A_234, %get3A_233, %broadcast_in_dim3A_242 : vector<16xi1>, vector<16xf32>
        %add3A_244 = arith.addf %add3A_224, %select_n3A_243 : vector<16xf32>
        %mul3A_245 = arith.constant 16 : i32
        %mul3A_246 = arith.muli %scan3A_123, %mul3A_245 : i32
        %add3A_247 = arith.constant 6 : i32
        %add3A_248 = arith.addi %mul3A_246, %add3A_247 : i32
        %mul3A_249 = arith.constant 16 : i32
        %mul3A_250 = arith.muli %add3A_248, %mul3A_249 : i32
        %get3A_251 = arith.index_cast %mul3A_250 : i32 to index
        %get3A_252 = tpu.vector_load %arg11[%get3A_251] {strides = array<i32>} : memref<16384xf32, #tpu.memory_space<vmem>>, vector<16xf32>,
        %get3A_253 = vector.shape_cast %get3A_252 : vector<16xf32> to vector<16xf32>
        %lt3A_254 = arith.cmpf olt, %get3A_253, %bitcast_convert_type3A_61 : vector<16xf32>
        %jit3A_255 = arith.constant 1.000000e+00 : f32
        %jit3A_256 = arith.constant 0.000000e+00 : f32
        %broadcast_in_dim3A_257 = vector.broadcast %jit3A_255 : f32 to vector<16xf32>
        %broadcast_in_dim3A_258 = vector.broadcast %jit3A_256 : f32 to vector<16xf32>
        %select_n3A_259 = arith.select %lt3A_254, %broadcast_in_dim3A_257, %broadcast_in_dim3A_258 : vector<16xi1>, vector<16xf32>
        %add3A_260 = arith.addf %add3A_240, %select_n3A_259 : vector<16xf32>
        %jit3A_261 = arith.constant 0.000000e+00 : f32
        %broadcast_in_dim3A_262 = vector.broadcast %jit3A_261 : f32 to vector<16xf32>
        %select_n3A_263 = arith.select %lt3A_254, %get3A_253, %broadcast_in_dim3A_262 : vector<16xi1>, vector<16xf32>
        %add3A_264 = arith.addf %add3A_244, %select_n3A_263 : vector<16xf32>
        %mul3A_265 = arith.constant 16 : i32
        %mul3A_266 = arith.muli %scan3A_123, %mul3A_265 : i32
        %add3A_267 = arith.constant 7 : i32
        %add3A_268 = arith.addi %mul3A_266, %add3A_267 : i32
        %mul3A_269 = arith.constant 16 : i32
        %mul3A_270 = arith.muli %add3A_268, %mul3A_269 : i32
        %get3A_271 = arith.index_cast %mul3A_270 : i32 to index
        %get3A_272 = tpu.vector_load %arg11[%get3A_271] {strides = array<i32>} : memref<16384xf32, #tpu.memory_space<vmem>>, vector<16xf32>,
        %get3A_273 = vector.shape_cast %get3A_272 : vector<16xf32> to vector<16xf32>
        %lt3A_274 = arith.cmpf olt, %get3A_273, %bitcast_convert_type3A_61 : vector<16xf32>
        %jit3A_275 = arith.constant 1.000000e+00 : f32
        %jit3A_276 = arith.constant 0.000000e+00 : f32
        %broadcast_in_dim3A_277 = vector.broadcast %jit3A_275 : f32 to vector<16xf32>
        %broadcast_in_dim3A_278 = vector.broadcast %jit3A_276 : f32 to vector<16xf32>
        %select_n3A_279 = arith.select %lt3A_274, %broadcast_in_dim3A_277, %broadcast_in_dim3A_278 : vector<16xi1>, vector<16xf32>
        %add3A_280 = arith.addf %add3A_260, %select_n3A_279 : vector<16xf32>
        %jit3A_281 = arith.constant 0.000000e+00 : f32
        %broadcast_in_dim3A_282 = vector.broadcast %jit3A_281 : f32 to vector<16xf32>
        %select_n3A_283 = arith.select %lt3A_274, %get3A_273, %broadcast_in_dim3A_282 : vector<16xi1>, vector<16xf32>
        %add3A_284 = arith.addf %add3A_264, %select_n3A_283 : vector<16xf32>
        %mul3A_285 = arith.constant 16 : i32
        %mul3A_286 = arith.muli %scan3A_123, %mul3A_285 : i32
        %add3A_287 = arith.constant 8 : i32
        %add3A_288 = arith.addi %mul3A_286, %add3A_287 : i32
        %mul3A_289 = arith.constant 16 : i32
        %mul3A_290 = arith.muli %add3A_288, %mul3A_289 : i32
        %get3A_291 = arith.index_cast %mul3A_290 : i32 to index
        %get3A_292 = tpu.vector_load %arg11[%get3A_291] {strides = array<i32>} : memref<16384xf32, #tpu.memory_space<vmem>>, vector<16xf32>,
        %get3A_293 = vector.shape_cast %get3A_292 : vector<16xf32> to vector<16xf32>
        %lt3A_294 = arith.cmpf olt, %get3A_293, %bitcast_convert_type3A_61 : vector<16xf32>
        %jit3A_295 = arith.constant 1.000000e+00 : f32
        %jit3A_296 = arith.constant 0.000000e+00 : f32
        %broadcast_in_dim3A_297 = vector.broadcast %jit3A_295 : f32 to vector<16xf32>
        %broadcast_in_dim3A_298 = vector.broadcast %jit3A_296 : f32 to vector<16xf32>
        %select_n3A_299 = arith.select %lt3A_294, %broadcast_in_dim3A_297, %broadcast_in_dim3A_298 : vector<16xi1>, vector<16xf32>
        %add3A_300 = arith.addf %add3A_280, %select_n3A_299 : vector<16xf32>
        %jit3A_301 = arith.constant 0.000000e+00 : f32
        %broadcast_in_dim3A_302 = vector.broadcast %jit3A_301 : f32 to vector<16xf32>
        %select_n3A_303 = arith.select %lt3A_294, %get3A_293, %broadcast_in_dim3A_302 : vector<16xi1>, vector<16xf32>
        %add3A_304 = arith.addf %add3A_284, %select_n3A_303 : vector<16xf32>
        %mul3A_305 = arith.constant 16 : i32
        %mul3A_306 = arith.muli %scan3A_123, %mul3A_305 : i32
        %add3A_307 = arith.constant 9 : i32
        %add3A_308 = arith.addi %mul3A_306, %add3A_307 : i32
        %mul3A_309 = arith.constant 16 : i32
        %mul3A_310 = arith.muli %add3A_308, %mul3A_309 : i32
        %get3A_311 = arith.index_cast %mul3A_310 : i32 to index
        %get3A_312 = tpu.vector_load %arg11[%get3A_311] {strides = array<i32>} : memref<16384xf32, #tpu.memory_space<vmem>>, vector<16xf32>,
        %get3A_313 = vector.shape_cast %get3A_312 : vector<16xf32> to vector<16xf32>
        %lt3A_314 = arith.cmpf olt, %get3A_313, %bitcast_convert_type3A_61 : vector<16xf32>
        %jit3A_315 = arith.constant 1.000000e+00 : f32
        %jit3A_316 = arith.constant 0.000000e+00 : f32
        %broadcast_in_dim3A_317 = vector.broadcast %jit3A_315 : f32 to vector<16xf32>
        %broadcast_in_dim3A_318 = vector.broadcast %jit3A_316 : f32 to vector<16xf32>
        %select_n3A_319 = arith.select %lt3A_314, %broadcast_in_dim3A_317, %broadcast_in_dim3A_318 : vector<16xi1>, vector<16xf32>
        %add3A_320 = arith.addf %add3A_300, %select_n3A_319 : vector<16xf32>
        %jit3A_321 = arith.constant 0.000000e+00 : f32
        %broadcast_in_dim3A_322 = vector.broadcast %jit3A_321 : f32 to vector<16xf32>
        %select_n3A_323 = arith.select %lt3A_314, %get3A_313, %broadcast_in_dim3A_322 : vector<16xi1>, vector<16xf32>
        %add3A_324 = arith.addf %add3A_304, %select_n3A_323 : vector<16xf32>
        %mul3A_325 = arith.constant 16 : i32
        %mul3A_326 = arith.muli %scan3A_123, %mul3A_325 : i32
        %add3A_327 = arith.constant 10 : i32
        %add3A_328 = arith.addi %mul3A_326, %add3A_327 : i32
        %mul3A_329 = arith.constant 16 : i32
        %mul3A_330 = arith.muli %add3A_328, %mul3A_329 : i32
        %get3A_331 = arith.index_cast %mul3A_330 : i32 to index
        %get3A_332 = tpu.vector_load %arg11[%get3A_331] {strides = array<i32>} : memref<16384xf32, #tpu.memory_space<vmem>>, vector<16xf32>,
        %get3A_333 = vector.shape_cast %get3A_332 : vector<16xf32> to vector<16xf32>
        %lt3A_334 = arith.cmpf olt, %get3A_333, %bitcast_convert_type3A_61 : vector<16xf32>
        %jit3A_335 = arith.constant 1.000000e+00 : f32
        %jit3A_336 = arith.constant 0.000000e+00 : f32
        %broadcast_in_dim3A_337 = vector.broadcast %jit3A_335 : f32 to vector<16xf32>
        %broadcast_in_dim3A_338 = vector.broadcast %jit3A_336 : f32 to vector<16xf32>
        %select_n3A_339 = arith.select %lt3A_334, %broadcast_in_dim3A_337, %broadcast_in_dim3A_338 : vector<16xi1>, vector<16xf32>
        %add3A_340 = arith.addf %add3A_320, %select_n3A_339 : vector<16xf32>
        %jit3A_341 = arith.constant 0.000000e+00 : f32
        %broadcast_in_dim3A_342 = vector.broadcast %jit3A_341 : f32 to vector<16xf32>
        %select_n3A_343 = arith.select %lt3A_334, %get3A_333, %broadcast_in_dim3A_342 : vector<16xi1>, vector<16xf32>
        %add3A_344 = arith.addf %add3A_324, %select_n3A_343 : vector<16xf32>
        %mul3A_345 = arith.constant 16 : i32
        %mul3A_346 = arith.muli %scan3A_123, %mul3A_345 : i32
        %add3A_347 = arith.constant 11 : i32
        %add3A_348 = arith.addi %mul3A_346, %add3A_347 : i32
        %mul3A_349 = arith.constant 16 : i32
        %mul3A_350 = arith.muli %add3A_348, %mul3A_349 : i32
        %get3A_351 = arith.index_cast %mul3A_350 : i32 to index
        %get3A_352 = tpu.vector_load %arg11[%get3A_351] {strides = array<i32>} : memref<16384xf32, #tpu.memory_space<vmem>>, vector<16xf32>,
        %get3A_353 = vector.shape_cast %get3A_352 : vector<16xf32> to vector<16xf32>
        %lt3A_354 = arith.cmpf olt, %get3A_353, %bitcast_convert_type3A_61 : vector<16xf32>
        %jit3A_355 = arith.constant 1.000000e+00 : f32
        %jit3A_356 = arith.constant 0.000000e+00 : f32
        %broadcast_in_dim3A_357 = vector.broadcast %jit3A_355 : f32 to vector<16xf32>
        %broadcast_in_dim3A_358 = vector.broadcast %jit3A_356 : f32 to vector<16xf32>
        %select_n3A_359 = arith.select %lt3A_354, %broadcast_in_dim3A_357, %broadcast_in_dim3A_358 : vector<16xi1>, vector<16xf32>
        %add3A_360 = arith.addf %add3A_340, %select_n3A_359 : vector<16xf32>
        %jit3A_361 = arith.constant 0.000000e+00 : f32
        %broadcast_in_dim3A_362 = vector.broadcast %jit3A_361 : f32 to vector<16xf32>
        %select_n3A_363 = arith.select %lt3A_354, %get3A_353, %broadcast_in_dim3A_362 : vector<16xi1>, vector<16xf32>
        %add3A_364 = arith.addf %add3A_344, %select_n3A_363 : vector<16xf32>
        %mul3A_365 = arith.constant 16 : i32
        %mul3A_366 = arith.muli %scan3A_123, %mul3A_365 : i32
        %add3A_367 = arith.constant 12 : i32
        %add3A_368 = arith.addi %mul3A_366, %add3A_367 : i32
        %mul3A_369 = arith.constant 16 : i32
        %mul3A_370 = arith.muli %add3A_368, %mul3A_369 : i32
        %get3A_371 = arith.index_cast %mul3A_370 : i32 to index
        %get3A_372 = tpu.vector_load %arg11[%get3A_371] {strides = array<i32>} : memref<16384xf32, #tpu.memory_space<vmem>>, vector<16xf32>,
        %get3A_373 = vector.shape_cast %get3A_372 : vector<16xf32> to vector<16xf32>
        %lt3A_374 = arith.cmpf olt, %get3A_373, %bitcast_convert_type3A_61 : vector<16xf32>
        %jit3A_375 = arith.constant 1.000000e+00 : f32
        %jit3A_376 = arith.constant 0.000000e+00 : f32
        %broadcast_in_dim3A_377 = vector.broadcast %jit3A_375 : f32 to vector<16xf32>
        %broadcast_in_dim3A_378 = vector.broadcast %jit3A_376 : f32 to vector<16xf32>
        %select_n3A_379 = arith.select %lt3A_374, %broadcast_in_dim3A_377, %broadcast_in_dim3A_378 : vector<16xi1>, vector<16xf32>
        %add3A_380 = arith.addf %add3A_360, %select_n3A_379 : vector<16xf32>
        %jit3A_381 = arith.constant 0.000000e+00 : f32
        %broadcast_in_dim3A_382 = vector.broadcast %jit3A_381 : f32 to vector<16xf32>
        %select_n3A_383 = arith.select %lt3A_374, %get3A_373, %broadcast_in_dim3A_382 : vector<16xi1>, vector<16xf32>
        %add3A_384 = arith.addf %add3A_364, %select_n3A_383 : vector<16xf32>
        %mul3A_385 = arith.constant 16 : i32
        %mul3A_386 = arith.muli %scan3A_123, %mul3A_385 : i32
        %add3A_387 = arith.constant 13 : i32
        %add3A_388 = arith.addi %mul3A_386, %add3A_387 : i32
        %mul3A_389 = arith.constant 16 : i32
        %mul3A_390 = arith.muli %add3A_388, %mul3A_389 : i32
        %get3A_391 = arith.index_cast %mul3A_390 : i32 to index
        %get3A_392 = tpu.vector_load %arg11[%get3A_391] {strides = array<i32>} : memref<16384xf32, #tpu.memory_space<vmem>>, vector<16xf32>,
        %get3A_393 = vector.shape_cast %get3A_392 : vector<16xf32> to vector<16xf32>
        %lt3A_394 = arith.cmpf olt, %get3A_393, %bitcast_convert_type3A_61 : vector<16xf32>
        %jit3A_395 = arith.constant 1.000000e+00 : f32
        %jit3A_396 = arith.constant 0.000000e+00 : f32
        %broadcast_in_dim3A_397 = vector.broadcast %jit3A_395 : f32 to vector<16xf32>
        %broadcast_in_dim3A_398 = vector.broadcast %jit3A_396 : f32 to vector<16xf32>
        %select_n3A_399 = arith.select %lt3A_394, %broadcast_in_dim3A_397, %broadcast_in_dim3A_398 : vector<16xi1>, vector<16xf32>
        %add3A_400 = arith.addf %add3A_380, %select_n3A_399 : vector<16xf32>
        %jit3A_401 = arith.constant 0.000000e+00 : f32
        %broadcast_in_dim3A_402 = vector.broadcast %jit3A_401 : f32 to vector<16xf32>
        %select_n3A_403 = arith.select %lt3A_394, %get3A_393, %broadcast_in_dim3A_402 : vector<16xi1>, vector<16xf32>
        %add3A_404 = arith.addf %add3A_384, %select_n3A_403 : vector<16xf32>
        %mul3A_405 = arith.constant 16 : i32
        %mul3A_406 = arith.muli %scan3A_123, %mul3A_405 : i32
        %add3A_407 = arith.constant 14 : i32
        %add3A_408 = arith.addi %mul3A_406, %add3A_407 : i32
        %mul3A_409 = arith.constant 16 : i32
        %mul3A_410 = arith.muli %add3A_408, %mul3A_409 : i32
        %get3A_411 = arith.index_cast %mul3A_410 : i32 to index
        %get3A_412 = tpu.vector_load %arg11[%get3A_411] {strides = array<i32>} : memref<16384xf32, #tpu.memory_space<vmem>>, vector<16xf32>,
        %get3A_413 = vector.shape_cast %get3A_412 : vector<16xf32> to vector<16xf32>
        %lt3A_414 = arith.cmpf olt, %get3A_413, %bitcast_convert_type3A_61 : vector<16xf32>
        %jit3A_415 = arith.constant 1.000000e+00 : f32
        %jit3A_416 = arith.constant 0.000000e+00 : f32
        %broadcast_in_dim3A_417 = vector.broadcast %jit3A_415 : f32 to vector<16xf32>
        %broadcast_in_dim3A_418 = vector.broadcast %jit3A_416 : f32 to vector<16xf32>
        %select_n3A_419 = arith.select %lt3A_414, %broadcast_in_dim3A_417, %broadcast_in_dim3A_418 : vector<16xi1>, vector<16xf32>
        %add3A_420 = arith.addf %add3A_400, %select_n3A_419 : vector<16xf32>
        %jit3A_421 = arith.constant 0.000000e+00 : f32
        %broadcast_in_dim3A_422 = vector.broadcast %jit3A_421 : f32 to vector<16xf32>
        %select_n3A_423 = arith.select %lt3A_414, %get3A_413, %broadcast_in_dim3A_422 : vector<16xi1>, vector<16xf32>
        %add3A_424 = arith.addf %add3A_404, %select_n3A_423 : vector<16xf32>
        %mul3A_425 = arith.constant 16 : i32
        %mul3A_426 = arith.muli %scan3A_123, %mul3A_425 : i32
        %add3A_427 = arith.constant 15 : i32
        %add3A_428 = arith.addi %mul3A_426, %add3A_427 : i32
        %mul3A_429 = arith.constant 16 : i32
        %mul3A_430 = arith.muli %add3A_428, %mul3A_429 : i32
        %get3A_431 = arith.index_cast %mul3A_430 : i32 to index
        %get3A_432 = tpu.vector_load %arg11[%get3A_431] {strides = array<i32>} : memref<16384xf32, #tpu.memory_space<vmem>>, vector<16xf32>,
        %get3A_433 = vector.shape_cast %get3A_432 : vector<16xf32> to vector<16xf32>
        %lt3A_434 = arith.cmpf olt, %get3A_433, %bitcast_convert_type3A_61 : vector<16xf32>
        %jit3A_435 = arith.constant 1.000000e+00 : f32
        %jit3A_436 = arith.constant 0.000000e+00 : f32
        %broadcast_in_dim3A_437 = vector.broadcast %jit3A_435 : f32 to vector<16xf32>
        %broadcast_in_dim3A_438 = vector.broadcast %jit3A_436 : f32 to vector<16xf32>
        %select_n3A_439 = arith.select %lt3A_434, %broadcast_in_dim3A_437, %broadcast_in_dim3A_438 : vector<16xi1>, vector<16xf32>
        %add3A_440 = arith.addf %add3A_420, %select_n3A_439 : vector<16xf32>
        %jit3A_441 = arith.constant 0.000000e+00 : f32
        %broadcast_in_dim3A_442 = vector.broadcast %jit3A_441 : f32 to vector<16xf32>
        %select_n3A_443 = arith.select %lt3A_434, %get3A_433, %broadcast_in_dim3A_442 : vector<16xi1>, vector<16xf32>
        %add3A_444 = arith.addf %add3A_424, %select_n3A_443 : vector<16xf32>
        scf.yield %add3A_440, %add3A_444 : vector<16xf32>, vector<16xf32>
      }
      %scan3A_71 = arith.constant 64 : i32
      %sub3A_72 = arith.constant 3.072000e+02 : f32
      %sub3A_73 = vector.broadcast %sub3A_72 : f32 to vector<16xf32>
      %sub3A_74 = arith.subf %sub3A_73, %scan3A_70#0 : vector<16xf32>
      %mul3A_75 = arith.mulf %sub3A_74, %bitcast_convert_type3A_61 : vector<16xf32>
      %add3A_76 = arith.addf %scan3A_70#1, %mul3A_75 : vector<16xf32>
      %mul3A_77 = arith.constant 0.00325520826 : f32
      %mul3A_78 = vector.broadcast %mul3A_77 : f32 to vector<16xf32>
      %mul3A_79 = arith.mulf %add3A_76, %mul3A_78 : vector<16xf32>
      %max3A = arith.constant 0.000000e+00 : f32
      %max3A_80 = vector.broadcast %max3A : f32 to vector<16xf32>
      %max3A_81 = arith.maximumf %mul3A_79, %max3A_80 : vector<16xf32>
      %bitcast_convert_type3A_82 = tpu.bitcast %max3A_81 : vector<16xf32> -> vector<16xi32>
      %shift_right_logical3A = arith.constant 1 : i32
      %shift_right_logical3A_83 = vector.broadcast %shift_right_logical3A : i32 to vector<16xi32>
      %shift_right_logical3A_84 = arith.shrui %bitcast_convert_type3A_82, %shift_right_logical3A_83 : vector<16xi32>
      %sub3A_85 = arith.constant 1597463007 : i32
      %sub3A_86 = vector.broadcast %sub3A_85 : i32 to vector<16xi32>
      %sub3A_87 = arith.subi %sub3A_86, %shift_right_logical3A_84 : vector<16xi32>
      %bitcast_convert_type3A_88 = tpu.bitcast %sub3A_87 : vector<16xi32> -> vector<16xf32>
      %mul3A_89 = arith.constant 5.000000e-01 : f32
      %mul3A_90 = vector.broadcast %mul3A_89 : f32 to vector<16xf32>
      %mul3A_91 = arith.mulf %mul3A_90, %max3A_81 : vector<16xf32>
      %mul3A_92 = arith.mulf %mul3A_91, %bitcast_convert_type3A_88 : vector<16xf32>
      %mul3A_93 = arith.mulf %mul3A_92, %bitcast_convert_type3A_88 : vector<16xf32>
      %sub3A_94 = arith.constant 1.500000e+00 : f32
      %sub3A_95 = vector.broadcast %sub3A_94 : f32 to vector<16xf32>
      %sub3A_96 = arith.subf %sub3A_95, %mul3A_93 : vector<16xf32>
      %mul3A_97 = arith.mulf %bitcast_convert_type3A_88, %sub3A_96 : vector<16xf32>
      %mul3A_98 = arith.constant 5.000000e-01 : f32
      %mul3A_99 = vector.broadcast %mul3A_98 : f32 to vector<16xf32>
      %mul3A_100 = arith.mulf %mul3A_99, %max3A_81 : vector<16xf32>
      %mul3A_101 = arith.mulf %mul3A_100, %mul3A_97 : vector<16xf32>
      %mul3A_102 = arith.mulf %mul3A_101, %mul3A_97 : vector<16xf32>
      %sub3A_103 = arith.constant 1.500000e+00 : f32
      %sub3A_104 = vector.broadcast %sub3A_103 : f32 to vector<16xf32>
      %sub3A_105 = arith.subf %sub3A_104, %mul3A_102 : vector<16xf32>
      %mul3A_106 = arith.mulf %mul3A_97, %sub3A_105 : vector<16xf32>
      %mul3A_107 = arith.constant 5.000000e-01 : f32
      %mul3A_108 = vector.broadcast %mul3A_107 : f32 to vector<16xf32>
      %mul3A_109 = arith.mulf %mul3A_108, %max3A_81 : vector<16xf32>
      %mul3A_110 = arith.mulf %mul3A_109, %mul3A_106 : vector<16xf32>
      %mul3A_111 = arith.mulf %mul3A_110, %mul3A_106 : vector<16xf32>
      %sub3A_112 = arith.constant 1.500000e+00 : f32
      %sub3A_113 = vector.broadcast %sub3A_112 : f32 to vector<16xf32>
      %sub3A_114 = arith.subf %sub3A_113, %mul3A_111 : vector<16xf32>
      %mul3A_115 = arith.mulf %mul3A_106, %sub3A_114 : vector<16xf32>
      %mul3A_116 = arith.mulf %max3A_81, %mul3A_115 : vector<16xf32>
      %mul3A_117 = arith.constant 16 : i32
      %mul3A_118 = arith.muli %scan3A_33, %mul3A_117 : i32
      %multiple_of3A = tpu.assume_multiple %mul3A_118, 8 : i32
      %swap3A = arith.index_cast %multiple_of3A : i32 to index
      %swap3A_119 = tpu.vector_load %arg12[%swap3A] {strides = array<i32>} : memref<288xf32, #tpu.memory_space<vmem>>, vector<16xf32>,
      %swap3A_120 = vector.shape_cast %swap3A_119 : vector<16xf32> to vector<16xf32>
      %swap3A_121 = vector.shape_cast %mul3A_116 : vector<16xf32> to vector<16xf32>
      tpu.vector_store %arg12[%swap3A], %swap3A_121 {strides = array<i32>} : memref<288xf32, #tpu.memory_space<vmem>>, vector<16xf32>,
      %scan3A_122 = arith.constant 0 : i32
      scf.yield %scan3A_122 : i32
    }
    %scan3A_27 = arith.constant 18 : i32
    %mul3A_28 = arith.constant 576 : i32
    %mul3A_29 = arith.muli %select_n3A, %mul3A_28 : i32
    %mul3A_30 = arith.constant 16 : i32
    %mul3A_31 = arith.muli %mul3A_21, %mul3A_30 : i32
    %add3A_32 = arith.addi %mul3A_29, %mul3A_31 : i32
    "tpu.region"() ({
      %run_scoped3A = tpu.sem_alloc : memref<!tpu.dma_semaphore, #tpu.memory_space<semaphore_mem>>
      %dma_start3A = tpu.memref_slice %arg6[%add3A_32] : memref<9216xf32, #tpu.memory_space<hbm>> -> memref<288xf32, #tpu.memory_space<hbm>>
      %dma_start3A_33 = tpu.memref_slice %arg6[%add3A_32] : memref<9216xf32, #tpu.memory_space<hbm>> -> memref<288xf32, #tpu.memory_space<hbm>>
      tpu.enqueue_dma source(%arg12 : memref<288xf32, #tpu.memory_space<vmem>>) target(%dma_start3A_33 : memref<288xf32, #tpu.memory_space<hbm>>) target_semaphore(%run_scoped3A : memref<!tpu.dma_semaphore, #tpu.memory_space<semaphore_mem>>)
      %dma_wait3A = tpu.memref_slice %arg6[%add3A_32] : memref<9216xf32, #tpu.memory_space<hbm>> -> memref<288xf32, #tpu.memory_space<hbm>>
      %dma_wait3A_34 = tpu.memref_slice %arg6[%add3A_32] : memref<9216xf32, #tpu.memory_space<hbm>> -> memref<288xf32, #tpu.memory_space<hbm>>
      tpu.wait_dma2 semaphore(%run_scoped3A : memref<!tpu.dma_semaphore, #tpu.memory_space<semaphore_mem>>) src(%arg12 : memref<288xf32, #tpu.memory_space<vmem>>) dst(%dma_wait3A_34 : memref<288xf32, #tpu.memory_space<hbm>>)
      tpu.yield
    }) : () -> ()
    return
  }
}

module attributes {stable_mosaic.version = 14 : i64} {
  func.func @_dtm_body(%arg0: i32, %arg1: i32, %arg2: memref<1x1024x2xf32, #tpu.memory_space<vmem>>, %arg3: memref<8x128xf32, #tpu.memory_space<vmem>>, %arg4: memref<1x1x128xf32, #tpu.memory_space<vmem>>) attributes {dimension_semantics = [#tpu.dimension_semantics<arbitrary>, #tpu.dimension_semantics<arbitrary>], iteration_bounds = array<i64: 16, 5>, scalar_prefetch = 0 : i64, scratch_operands = 0 : i64, tpu.core_type = #tpu.core_type<tc>, window_params = [{transform_indices = @transform_0, window_bounds = array<i64: 1, 1024, 2>}, {transform_indices = @transform_1, window_bounds = array<i64: 8, 128>}, {transform_indices = @transform_2, window_bounds = array<i64: 1, 1, 128>}]} {
    %get3A = arith.constant 0 : index
    %get3A_0 = arith.constant 0 : index
    %get3A_1 = arith.constant 0 : index
    %get3A_2 = vector.load %arg2[%get3A, %get3A_0, %get3A_1] : memref<1x1024x2xf32, #tpu.memory_space<vmem>>, vector<1x1024x2xf32>
    %get3A_3 = vector.shape_cast %get3A_2 : vector<1x1024x2xf32> to vector<1024x2xf32>
    %slice3A = vector.extract_strided_slice %get3A_3 {offsets = [0, 0], sizes = [1024, 1], strides = [1, 1]} : vector<1024x2xf32> to vector<1024x1xf32>
    %slice3A_4 = vector.extract_strided_slice %get3A_3 {offsets = [0, 1], sizes = [1024, 1], strides = [1, 1]} : vector<1024x2xf32> to vector<1024x1xf32>
    %get3A_5 = arith.constant 0 : index
    %get3A_6 = arith.constant 0 : index
    %get3A_7 = vector.load %arg3[%get3A_5, %get3A_6] : memref<8x128xf32, #tpu.memory_space<vmem>>, vector<1x128xf32>
    %get3A_8 = arith.constant 1 : index
    %get3A_9 = arith.constant 0 : index
    %get3A_10 = vector.load %arg3[%get3A_8, %get3A_9] : memref<8x128xf32, #tpu.memory_space<vmem>>, vector<1x128xf32>
    %sub3A = vector.broadcast %slice3A : vector<1024x1xf32> to vector<1024x128xf32>
    %sub3A_11 = vector.broadcast %get3A_7 : vector<1x128xf32> to vector<1024x128xf32>
    %sub3A_12 = arith.subf %sub3A, %sub3A_11 : vector<1024x128xf32>
    %sub3A_13 = vector.broadcast %slice3A_4 : vector<1024x1xf32> to vector<1024x128xf32>
    %sub3A_14 = vector.broadcast %get3A_10 : vector<1x128xf32> to vector<1024x128xf32>
    %sub3A_15 = arith.subf %sub3A_13, %sub3A_14 : vector<1024x128xf32>
    %mul3A = arith.mulf %sub3A_12, %sub3A_12 : vector<1024x128xf32>
    %mul3A_16 = arith.mulf %sub3A_15, %sub3A_15 : vector<1024x128xf32>
    %add3A = arith.addf %mul3A, %mul3A_16 : vector<1024x128xf32>
    %bitcast_convert_type3A = tpu.bitcast %add3A : vector<1024x128xf32> -> vector<1024x128xi32>
    %reduce_min3A = arith.constant dense<0x7F800000> : vector<128xf32>
    %reduce_min3A_17 = vector.multi_reduction <minimumf>, %add3A, %reduce_min3A [0] : vector<1024x128xf32> to vector<128xf32>
    %broadcast_in_dim3A = vector.shape_cast %reduce_min3A_17 : vector<128xf32> to vector<1x128xf32>
    %bitcast_convert_type3A_18 = tpu.bitcast %broadcast_in_dim3A : vector<1x128xf32> -> vector<1x128xi32>
    %reduce_max3A = arith.constant dense<0xFF800000> : vector<128xf32>
    %reduce_max3A_19 = vector.multi_reduction <maximumf>, %add3A, %reduce_max3A [0] : vector<1024x128xf32> to vector<128xf32>
    %broadcast_in_dim3A_20 = vector.shape_cast %reduce_max3A_19 : vector<128xf32> to vector<1x128xf32>
    %bitcast_convert_type3A_21 = tpu.bitcast %broadcast_in_dim3A_20 : vector<1x128xf32> -> vector<1x128xi32>
    %scan3A = arith.constant 0 : i32
    %scan3A_22 = arith.constant 12 : i32
    %scan3A_23 = arith.addi %scan3A, %scan3A_22 : i32
    %scan3A_24 = arith.constant 1 : i32
    %scan3A_25:2 = scf.for %scan3A_49 = %scan3A to %scan3A_23 step %scan3A_24 iter_args(%scan3A_50 = %bitcast_convert_type3A_18, %scan3A_51 = %bitcast_convert_type3A_21) -> (vector<1x128xi32>, vector<1x128xi32>)  : i32 {
      %sub3A_52 = arith.subi %scan3A_51, %scan3A_50 : vector<1x128xi32>
      %shift_right_arithmetic3A = arith.constant 1 : i32
      %shift_right_arithmetic3A_53 = vector.broadcast %shift_right_arithmetic3A : i32 to vector<1x128xi32>
      %shift_right_arithmetic3A_54 = arith.shrsi %sub3A_52, %shift_right_arithmetic3A_53 : vector<1x128xi32>
      %add3A_55 = arith.addi %scan3A_50, %shift_right_arithmetic3A_54 : vector<1x128xi32>
      %le3A = vector.broadcast %add3A_55 : vector<1x128xi32> to vector<1024x128xi32>
      %le3A_56 = arith.cmpi sle, %bitcast_convert_type3A, %le3A : vector<1024x128xi32>
      %convert_element_type3A_57 = arith.extui %le3A_56 : vector<1024x128xi1> to vector<1024x128xi32>
      %reduce_sum3A_58 = arith.constant dense<0> : vector<128xi32>
      %reduce_sum3A_59 = vector.multi_reduction <add>, %convert_element_type3A_57, %reduce_sum3A_58 [0] : vector<1024x128xi32> to vector<128xi32>
      %broadcast_in_dim3A_60 = vector.shape_cast %reduce_sum3A_59 : vector<128xi32> to vector<1x128xi32>
      %ge3A = arith.constant 308 : i32
      %ge3A_61 = vector.broadcast %ge3A : i32 to vector<1x128xi32>
      %ge3A_62 = arith.cmpi sge, %broadcast_in_dim3A_60, %ge3A_61 : vector<1x128xi32>
      %add3A_63 = arith.constant 1 : i32
      %add3A_64 = vector.broadcast %add3A_63 : i32 to vector<1x128xi32>
      %add3A_65 = arith.addi %add3A_55, %add3A_64 : vector<1x128xi32>
      %select_n3A_66 = arith.select %ge3A_62, %scan3A_50, %add3A_65 : vector<1x128xi1>, vector<1x128xi32>
      %select_n3A_67 = arith.select %ge3A_62, %add3A_55, %scan3A_51 : vector<1x128xi1>, vector<1x128xi32>
      scf.yield %select_n3A_66, %select_n3A_67 : vector<1x128xi32>, vector<1x128xi32>
    }
    %bitcast_convert_type3A_26 = tpu.bitcast %scan3A_25#1 : vector<1x128xi32> -> vector<1x128xf32>
    %lt3A = vector.broadcast %bitcast_convert_type3A_26 : vector<1x128xf32> to vector<1024x128xf32>
    %lt3A_27 = arith.cmpf olt, %add3A, %lt3A : vector<1024x128xf32>
    %convert_element_type3A = arith.extui %lt3A_27 : vector<1024x128xi1> to vector<1024x128xi32>
    %convert_element_type3A_28 = arith.sitofp %convert_element_type3A : vector<1024x128xi32> to vector<1024x128xf32>
    %reduce_sum3A = arith.constant dense<0.000000e+00> : vector<128xf32>
    %reduce_sum3A_29 = vector.multi_reduction <add>, %convert_element_type3A_28, %reduce_sum3A [0] : vector<1024x128xf32> to vector<128xf32>
    %broadcast_in_dim3A_30 = vector.shape_cast %reduce_sum3A_29 : vector<128xf32> to vector<1x128xf32>
    %jit3A = arith.constant 0.000000e+00 : f32
    %broadcast_in_dim3A_31 = vector.broadcast %jit3A : f32 to vector<1024x128xf32>
    %select_n3A = arith.select %lt3A_27, %add3A, %broadcast_in_dim3A_31 : vector<1024x128xi1>, vector<1024x128xf32>
    %reduce_sum3A_32 = arith.constant dense<0.000000e+00> : vector<128xf32>
    %reduce_sum3A_33 = vector.multi_reduction <add>, %select_n3A, %reduce_sum3A_32 [0] : vector<1024x128xf32> to vector<128xf32>
    %broadcast_in_dim3A_34 = vector.shape_cast %reduce_sum3A_33 : vector<128xf32> to vector<1x128xf32>
    %sub3A_35 = arith.constant 3.072000e+02 : f32
    %sub3A_36 = vector.broadcast %sub3A_35 : f32 to vector<1x128xf32>
    %sub3A_37 = arith.subf %sub3A_36, %broadcast_in_dim3A_30 : vector<1x128xf32>
    %mul3A_38 = arith.mulf %sub3A_37, %bitcast_convert_type3A_26 : vector<1x128xf32>
    %add3A_39 = arith.addf %broadcast_in_dim3A_34, %mul3A_38 : vector<1x128xf32>
    %max3A = arith.constant 0.000000e+00 : f32
    %max3A_40 = vector.broadcast %max3A : f32 to vector<1x128xf32>
    %max3A_41 = arith.maximumf %add3A_39, %max3A_40 : vector<1x128xf32>
    %div3A = arith.constant 3.072000e+02 : f32
    %div3A_42 = vector.broadcast %div3A : f32 to vector<1x128xf32>
    %div3A_43 = arith.divf %max3A_41, %div3A_42 : vector<1x128xf32>
    %sqrt3A = math.sqrt %div3A_43 : vector<1x128xf32>
    %swap3A = arith.constant 0 : index
    %swap3A_44 = arith.constant 0 : index
    %swap3A_45 = arith.constant 0 : index
    %swap3A_46 = vector.load %arg4[%swap3A, %swap3A_44, %swap3A_45] : memref<1x1x128xf32, #tpu.memory_space<vmem>>, vector<1x1x128xf32>
    %swap3A_47 = vector.shape_cast %swap3A_46 : vector<1x1x128xf32> to vector<1x128xf32>
    %swap3A_48 = vector.shape_cast %sqrt3A : vector<1x128xf32> to vector<1x1x128xf32>
    tpu.vector_store %arg4[%swap3A, %swap3A_44, %swap3A_45], %swap3A_48 {strides = array<i32>} : memref<1x1x128xf32, #tpu.memory_space<vmem>>, vector<1x1x128xf32>,
    return
  }
  func.func @transform_0(%arg0: i32, %arg1: i32) -> (i32, i32, i32) {
    %c0_i32 = arith.constant 0 : i32
    %c0_i32_0 = arith.constant 0 : i32
    %c0_i32_1 = arith.constant 0 : i32
    return %arg0, %c0_i32, %c0_i32_0 : i32, i32, i32
  }
  func.func @transform_1(%arg0: i32, %arg1: i32) -> (i32, i32) {
    %c0_i32 = arith.constant 0 : i32
    %c0_i32_0 = arith.constant 0 : i32
    return %c0_i32, %arg1 : i32, i32
  }
  func.func @transform_2(%arg0: i32, %arg1: i32) -> (i32, i32, i32) {
    %c0_i32 = arith.constant 0 : i32
    %c0_i32_0 = arith.constant 0 : i32
    return %arg0, %c0_i32, %arg1 : i32, i32, i32
  }
}

</mosaic_0001>

<sc_bundles>
// kernel: kernel.4.cloned.1.call-start
scs
__scs_entry_jumppad:
0x0: {  	(pc) =	sbr.rel $0x88, $3  }
0x1: {  	(tag) =	ssettag $0x0;
	lr =	simm.s32 $0x1  }
0x2: {  	[smem:$0x3F9F] =	sst lr;
	_ =	strace $0xD0000000  }
0x3: {  	_ = 	snop  }
0x4: {  	_ = 	snop  }
0x5: {  	_ = 	snop  }
0x6: {  	_ = 	snop  }
0x7: {  	_ = 	snop  }
__scs_overlays_trampoline_lowered:
0x8: {  	[smem:$0x3FAE] =	sst s0  }
0x9: {  	[smem:$0x3FAF] =	sst s1  }
0xa: {  	[smem:$0x3FB0] =	sst s2  }
0xb: {  	[smem:$0x3FB1] =	sst s3  }
0xc: {  	[smem:$0x3FB2] =	sst s4  }
0xd: {  	[smem:$0x3FB3] =	sst s5  }
0xe: {  	[smem:$0x3FB4] =	sst s6  }
0xf: {  	[smem:$0x3FB5] =	sst s7  }
0x10: {  	[smem:$0x3FB6] =	sst s8  }
0x11: {  	[smem:$0x3FB7] =	sst s9;
	s0 =	simm.s32 @!p0 $0x0  }
0x12: {  	s1 =	sld [smem:$0x3F9D];
	s0 =	simm.s32 @p0 $0x1  }
0x13: {  	[smem:$0x3FB8] =	sst s0;
	s0 =	simm.s32 @!p1 $0x0  }
0x14: {  	s2 =	sld [smem:$0x3F9C];
	s0 =	simm.s32 @p1 $0x1  }
0x15: {  	[smem:$0x3FB9] =	sst s0;
	s0 =	simm.s32 @!p2 $0x0  }
0x16: {  	s3 =	sld [smem:$0x3FDB];
	s0 =	simm.s32 @p2 $0x1  }
0x17: {  	s4 =	simm.s32 $0x1BF5;
	[smem:$0x3FBB] =	sst s0  }
0x18: {  	s0 =	sld [smem:$0x3F9E];
	_ =	swait.ge [sflag:s4], $0x0  }
0x19: {  	s7 =	sld [smem:$0x3F9F]  }
0x1a: {  	s8 =	sadd.s32 $0xFFFFE003, lr  }
0x1b: {  	s9 =	sadd.s32 $0xFFFFFEF7, lr;
	s5 =	simm.s32 $0xFFFFFFFF;
	p2 =	slt.u32 s8, $0xFFFFF086  }
0x1c: {  	p1 =	slt.u32 s9, $0xF7A;
	s5 =	simm.s32 @!p2 $0x0  }
0x1d: {  	s5 =	simm.s32 @p1 $0x1;
	p0 =	seq.s32 s7, s2  }
0x1e: {  	s7 =	smul.u32 @!p0 $0xF7A, s2;
	p2 =	seq.s32 @!p0 s5, $0x0  }
0x1f: {  	s9 =	smul.u32 $0xF7A, s1;
	s8 =	simm.s32 @!p0 $0x1BF5;
	p2 =	por !p2, p0  }
0x20: {  	[sflag:s8] =	ssyncset.s32 @!p0 $0xFFFFF086;
	s6 =	sadd.s32 @!p0 s3, s7;
	s7 =	simm.s32 @!p0 $0x108  }
0x21: {  	s3 =	sadd.s32 s3, s9;
	s6 =	sadd.s32 @!p0 $0x88, s6;
	s7 =	simm.s32 @p2 $0x1082  }
0x22: {  	[simem:s7], [sflag:s8] =	dma.local @!p0 [hbm:s6], $0xF7A  }
0x23: {  	s9 =	sor.u32 $0xD0000000, s2;
	s6 =	simm.s32 $0x108;
	_ =	swait.ge @!p0 [sflag:s8], $0x0  }
0x24: {  	s3 =	sadd.s32 $0x88, s3;
	s6 =	simm.s32 @!p1 $0x1082;
	[sflag:s4] =	ssyncset.s32 $0xFFFFF086  }
0x25: {  	[simem:s6], [sflag:s4] =	dma.local [hbm:s3], $0xF7A  }
0x26: {  	[smem:$0x3F9F] =	sst s1;
	(tag) =	ssettag s2;
	_ =	strace s9  }
0x27: {  	s1 =	sld [smem:$0x3FAF]  }
0x28: {  	s2 =	sld [smem:$0x3FB0]  }
0x29: {  	s4 =	sld [smem:$0x3FB2]  }
0x2a: {  	p0 =	seq.s32 s5, $0x0;
	s5 =	sld [smem:$0x3FB3]  }
0x2b: {  	s6 =	sld [smem:$0x3FB4]  }
0x2c: {  	s7 =	sld [smem:$0x3FB5]  }
0x2d: {  	s3 =	simm.s32 $0x108;
	s8 =	sld [smem:$0x3FB6]  }
0x2e: {  	s3 =	simm.s32 @!p0 $0x1082;
	s9 =	sld [smem:$0x3FB7]  }
0x2f: {  	lr =	sadd.s32 s0, s3;
	s0 =	sld [smem:$0x3FAE]  }
0x30: {  	s3 =	sld [smem:$0x3FB1]  }
0x31: {  	[smem:$0x3FBA] =	sst s10  }
0x32: {  	s10 =	sld [smem:$0x3FB8];
	_ =	sdelay $0x3  }
0x33: {  	p0 =	seq.s32 s10, $0x1;
	s10 =	sld [smem:$0x3FBA];
	_ =	sdelay $0x3  }
0x34: {  	[smem:$0x3FBA] =	sst s10  }
0x35: {  	s10 =	sld [smem:$0x3FB9];
	_ =	sdelay $0x3  }
0x36: {  	p1 =	seq.s32 s10, $0x1;
	s10 =	sld [smem:$0x3FBA];
	_ =	sdelay $0x3  }
0x37: {  	[smem:$0x3FBA] =	sst s10  }
0x38: {  	s10 =	sld [smem:$0x3FBB]  }
0x39: {  	_ = 	snop;
	(pc) =	sbr.ind lr, $3  }
0x3a: {  	_ = 	snop  }
0x3b: {  	_ = 	snop  }
0x3c: {  	p2 =	seq.s32 s10, $0x1;
	s10 =	sld [smem:$0x3FBA]  }
0x3d: {  	_ =	shalt  }
0x3e: {  	_ =	shalt  }
0x3f: {  	_ =	shalt  }
0x40: {  	_ =	shalt  }
0x41: {  	_ =	shalt  }
0x42: {  	_ =	shalt  }
0x43: {  	_ =	shalt  }
0x44: {  	_ =	shalt  }
0x45: {  	_ =	shalt  }
0x46: {  	_ =	shalt  }
0x47: {  	_ =	shalt  }
0x48: {  	_ =	shalt  }
0x49: {  	_ =	shalt  }
0x4a: {  	_ =	shalt  }
0x4b: {  	_ =	shalt  }
0x4c: {  	_ =	shalt  }
0x4d: {  	_ =	shalt  }
0x4e: {  	_ =	shalt  }
0x4f: {  	_ =	shalt  }
0x50: {  	_ =	shalt  }
0x51: {  	_ =	shalt  }
0x52: {  	_ =	shalt  }
0x53: {  	_ =	shalt  }
0x54: {  	_ =	shalt  }
0x55: {  	_ =	shalt  }
0x56: {  	_ =	shalt  }
0x57: {  	_ =	shalt  }
0x58: {  	_ =	shalt  }
0x59: {  	_ =	shalt  }
0x5a: {  	_ =	shalt  }
0x5b: {  	_ =	shalt  }
0x5c: {  	_ =	shalt  }
0x5d: {  	_ =	shalt  }
0x5e: {  	_ =	shalt  }
0x5f: {  	_ =	shalt  }
0x60: {  	_ =	shalt  }
0x61: {  	_ =	shalt  }
0x62: {  	_ =	shalt  }
0x63: {  	_ =	shalt  }
0x64: {  	_ =	shalt  }
0x65: {  	_ =	shalt  }
0x66: {  	_ =	shalt  }
0x67: {  	_ =	shalt  }
0x68: {  	_ =	shalt  }
0x69: {  	_ =	shalt  }
0x6a: {  	_ =	shalt  }
0x6b: {  	_ =	shalt  }
0x6c: {  	_ =	shalt  }
0x6d: {  	_ =	shalt  }
0x6e: {  	_ =	shalt  }
0x6f: {  	_ =	shalt  }
0x70: {  	_ =	shalt  }
0x71: {  	_ =	shalt  }
0x72: {  	_ =	shalt  }
0x73: {  	_ =	shalt  }
0x74: {  	_ =	shalt  }
0x75: {  	_ =	shalt  }
0x76: {  	_ =	shalt  }
0x77: {  	_ =	shalt  }
0x78: {  	_ =	shalt  }
0x79: {  	_ =	shalt  }
0x7a: {  	_ =	shalt  }
0x7b: {  	_ =	shalt  }
0x7c: {  	_ =	shalt  }
0x7d: {  	_ =	shalt  }
0x7e: {  	_ =	shalt  }
0x7f: {  	_ =	shalt  }
0x80: {  	_ =	shalt  }
0x81: {  	_ =	shalt  }
0x82: {  	_ =	shalt  }
0x83: {  	_ =	shalt  }
0x84: {  	_ =	shalt  }
0x85: {  	_ =	shalt  }
0x86: {  	_ =	shalt  }
0x87: {  	_ =	shalt  }
.Lfunc_end0:
.L_simem_size_0:
called_computation_lowered:
.L_overlay_start_0:
0x88: {  	s2 =	sld [smem:$0x3FD9]  }
0x89: {  	s3 =	sld [smem:$0x3FFE];
	_ =	sdelay $0x1  }
0x8a: {  	s1 =	srdreg.scid  }
0x8b: {  	s0 =	sand.u32 $0x1, s1  }
0x8c: {  	s17 =	sshll.u32 s0, $0xA;
	s2 =	sadd.s32 s3, s2  }
0x8d: {  	s2 =	sadd.s32 s2, s17  }
0x8e: {  	[smem:$0x3FC6] =	sst s2  }
0x8f: {  	_ = 	snop  }
0x90: {  	s2 =	sld [smem:$0x3FD0];
	(tm) =	ssettm $0x1  }
0x91: {  	s18 =	sld [smem:$0x3FFB];
	_ =	sdelay $0x3  }
0x92: {  	_ =	strace s18  }
0x93: {  	s3 =	sld [smem:$0x3FFC];
	_ =	sdelay $0x3  }
0x94: {  	_ =	strace s3  }
0x95: {  	s3 =	sld [smem:$0x3FFD];
	_ =	sdelay $0x3  }
0x96: {  	_ =	strace s3  }
0x97: {  	_ =	strace $0x8FFFFFFF  }
0x98: {  	s19 =	sld [smem:$0x3FDB];
	_ =	sdelay $0x1  }
0x99: {  	s4 =	simm.s32 $_scs_section_size  }
0x9a: {  	s5 =	simm.s32 $_size__tile_overlayer_lowered;
	s6 =	simm.s32 $_tile_overlayer_lowered  }
0x9b: {  	s22 =	simm.s32 $0x1BFF;
	s21 =	sshll.u32 s6, $0x1;
	s3 =	sadd.s32 s4, s19  }
0x9c: {  	s7 =	simm.s32 $0x0;
	s20 =	sshll.u32 s5, $0x1;
	s5 =	sadd.s32 s21, s3  }
0x9d: {  	[timem:s7], [sflag:s22] =	dma.local [hbm:s5], s20  }
0x9e: {  	_ =	swait.ge [sflag:s22], s20  }
0x9f: {  	s4 =	ssub.s32 $0x0, s20;
	[sflag:s22] =	ssyncset.done $0x0  }
0xa0: {  	[sflag:s22] =	ssyncadd.s32 s4;
	_ =	sdelay $0x1  }
0xa1: {  	s23 =	simm.s32 $0x1B8B  }
0xa2: {  	_ =	swait.ge [sflag:s23], $0x1  }
0xa3: {  	[sflag:s23] =	ssyncset.done $0x0  }
0xa4: {  	s25 =	simm.s32 $0x1B8E;
	s24 =	sld [smem:$0x3FFE];
	[sflag:s23] =	ssyncadd.s32 $0xFFFFFFFF  }
0xa5: {  	s26 =	simm.s32 $execute0_lowered;
	[smem:$0x3FD2] =	sst s25  }
0xa6: {  	s5 =	sshll.u32 s26, $0x1;
	_ =	strace $0x80000046;
	[dreg:$0x1] =	wrdreg $0xFFFFFFFF  }
0xa7: {  	s28 =	simm.s32 $_size_execute0_lowered;
	s3 =	sadd.s32 s3, s5;
	[dreg:$0x0] =	wrdreg $0x0  }
0xa8: {  	s5 =	sshll.u32 s28, $0x1;
	[dreg:$0x2] =	wrdreg s3  }
0xa9: {  	[dreg:$0x3] =	wrdreg s5  }
0xaa: {  	[dreg:$0x4] =	wrdreg $0xC0  }
0xab: {  	_ =	task [dreg:s7], $0x5FFFF  }
0xac: {  	[dreg:$0x1] =	wrdreg $0xFFFFFFFF  }
0xad: {  	[dreg:$0x0] =	wrdreg $0x60  }
0xae: {  	[dreg:$0x2] =	wrdreg s24  }
0xaf: {  	[dreg:$0x3] =	wrdreg s2  }
0xb0: {  	[dreg:$0x4] =	wrdreg $0x9  }
0xb1: {  	_ =	task.clear_ibuf [dreg:s7], $0x5FFFF;
	_ =	strace $0x90000046  }
0xb2: {  	s29 =	simm.s32 $0x9;
	_ =	strace $0x80000048  }
0xb3: {  	_ =	swait.ge [sflag:s29], $0x1  }
0xb4: {  	[sflag:s29] =	ssyncadd.s32 $0xFFFFFFFF  }
0xb5: {  	_ =	strace $0x90000048  }
0xb6: {  	_ =	sfence  }
0xb7: {  	s30 =	sld [smem:$0x0];
	_ =	sdelay $0x2  }
0xb8: {  	s31 =	sshll.u32 s1, $0xD;
	s1 =	sshrl.u32 s1, $0x2  }
0xb9: {  	s3 =	sand.u32 $0x4000, s31;
	s1 =	sadd.s32 s1, s30  }
0xba: {  	s0 =	sor.u32 s3, s0;
	s1 =	sshll.u32 s1, $0x11  }
0xbb: {  	s0 =	sor.u32 s1, s0  }
0xbc: {  	s0 =	sadd.s32 $0x8F2B, s0  }
0xbd: {  	[sflag:s0] =	ssyncadd.remote.s32 $0x1  }
0xbe: {  	_ =	sfence.sel $0xFFFF  }
0xbf: {  	[dreg:$0x0] =	wrdreg $0xFFFFFFFF;
	(pc) =	sbr.abs _section_cstart, $3  }
0xc0: {  	[dreg:$0x1] =	wrdreg $0xFFFFFFFF  }
0xc1: {  	_ =	task.clear_ibuf [dreg:s7], $0x2FFFF;
	_ =	strace $0x9FFFFFFF  }
0xc2: {  	(tm) =	ssettm $0x7FFFFFFF  }
0xc3: {  	_ =	shalt  }
tec
execute0_lowered:
.L_overlay_start_1:
0x0: {  	(tag) =	ssettag $0x1  }
0x1: {  	s1 =	srdreg.scid;
	s0 =	stileid.u32  }
0x2: {  	s6 =	rddreg [dreg:$0x0];
	s5 =	sand.u32 $0x1, s1;
	s28 =	sshll.u32 s0, $0x1  }
0x3: {  	s8 =	rddreg [dreg:$0x1];
	s3 =	sor.u32 s5, s28  }
0x4: {  	s2 =	simm.s32 $0x0;
	p1 =	seq.s32 s5, $0x1;
	p0 =	seq.s32 s3, $0x0  }
0x5: {  	s14 =	simm.s32 $0x400;
	s15 =	simm.s32 $0x4D00;
	p0 =	por !p0, !p1  }
0x6: {  	s16 =	simm.s32 $0x0;
	s1 =	simm.s32 $0x1;
	p0 =	por !p0, !p0  }
0x7: {  	[smem:$0x7FF] =	sst s2;
	s12 =	ssub.s32 $0x2, s5;
	s1 =	simm.s32 @!p0 $0x0  }
0x8: {  	s5 =	sadd.s32 $0x600, s6;
	s31 =	sshrl.u32 s12, $0x1;
	s4 =	ssub.s32 s0, s1  }
0x9: {  	s12 =	ssub.s32 s12, s31;
	s7 =	sshll.u32 s4, $0xA;
	s10 =	sshll.u32 s4, $0x1  }
0xa: {  	s9 =	sshll.u32 s4, $0x7;
	s4 =	smul.u32 $0x240, s4;
	s10 =	ssub.s32 s3, s10  }
0xb: {  	s7 =	sand.u32 $0xFFFFE000, s7;
	s9 =	sand.u32 $0x380, s9;
	s30 =	smul.u32 $0x120, s10  }
0xc: {  	v0 =	vimm.s32 $0x0;
	v1 =	vimm.s32 $0x1;
	s1 =	rddreg [dreg:$0x2];
	_ =	strace $0x80000047;
	s29 =	sor.u32 s9, s7  }
0xd: {  	v2 =	vimm.s32 $0x2;
	v3 =	vimm.s32 $0x3;
	v4 =	vimm.s32 $0x4;
	s3 =	simm.s32 $0x1;
	s9 =	sshrl.u32 s29, $0x3;
	s7 =	sadd.s32 s4, s30  }
0xe: {  	v5 =	vimm.s32 $0x5;
	v6 =	vimm.s32 $0x6;
	v7 =	vimm.s32 $0x7;
	s11 =	sadd.s32 s9, s6;
	s4 =	sadd.s32 $0x400, s6;
	s7 =	sshrl.u32 s7, $0x3  }
0xf: {  	v8 =	vimm.s32 $0x8;
	v9 =	vimm.s32 $0x9;
	v10 =	vimm.s32 $0xA;
	s8 =	sadd.s32 s8, s9;
	s13 =	sadd.s32 s7, s6;
	s6 =	smul.u32 $0x12, s10  }
0x10: {  	v11 =	vimm.s32 $0xB;
	v12 =	vimm.s32 $0xC;
	v13 =	vimm.s32 $0xD;
	s7 =	sadd.s32 $0x800, s11;
	s10 =	smax.u32 s12, $0x1;
	s11 =	simm.s32 $0x800  }
0x11: {  	v14 =	vimm.s32 $0xE;
	v15 =	vimm.s32 $0xF;
	v16 =	vimm.f32 $0.0e+00;
	s12 =	simm.s32 $0xA80;
	s9 =	sadd.s32 $0x1000, s13;
	s13 =	simm.s32 $0x80  }
.LBB2_1:
0x12: {  	[tilespmem:s11], [sflag:$0x1] =	stream.linear.gather [hbm4b:s4+s2], $0x280, $0x38;
	[tilespmem:$0x4E80] =	vst v63  }
0x13: {  	_ =	swait.ge [sflag:s3], $0x280  }
0x14: {  	[sflag:s3] =	ssyncset.done $0x0  }
0x15: {  	[sflag:s3] =	ssyncadd.s32 $0xFFFFFD80  }
0x16: {  	[tilespmem:s12], [sflag:$0x1] =	stream.linear.gather [hbm4b:s5+s2], $0x280, $0x38;
	[tilespmem:$0x4E80] =	vst v63  }
0x17: {  	_ =	swait.ge [sflag:s3], $0x280  }
0x18: {  	[sflag:s3] =	ssyncset.done $0x0  }
0x19: {  	[sflag:s3] =	ssyncadd.s32 $0xFFFFFD80  }
0x1a: {  	[tilespmem:s2], [sflag:$0x1] =	stream.strided.gather [hbm4b:s7+s13], $0x400, s14, s13, $0x38;
	[tilespmem:$0x4E80] =	vst v63  }
0x1b: {  	_ =	swait.ge [sflag:s3], $0x400  }
0x1c: {  	[sflag:s3] =	ssyncset.done $0x0  }
0x1d: {  	[sflag:s3] =	ssyncadd.s32 $0xFFFFFC00  }
0x1e: {  	[tilespmem:s14], [sflag:$0x1] =	stream.strided.gather [hbm4b:s8+s13], $0x400, s14, s13, $0x38;
	[tilespmem:$0x4E80] =	vst v63  }
0x1f: {  	_ =	swait.ge [sflag:s3], $0x400  }
0x20: {  	[sflag:s3] =	ssyncset.done $0x0  }
0x21: {  	s17 =	simm.s32 $0x0;
	[sflag:s3] =	ssyncadd.s32 $0xFFFFFC00  }
.LBB2_2:
0x22: {  	s19 =	simm.s32 $0x0  }
0x23: {  	v19 =	vld [tilespmem:s19+$0x0];
	_ =	sdelay $0x2  }
0x24: {  	v20 =	vld [tilespmem:s19+$0x400];
	_ =	sdelay $0x1  }
0x25: {  	v21 =	vperm.xlane v19, v0  }
0x26: {  	v22 =	vperm.xlane v19, v14;
	v24 =	vperm.xlane v19, v1  }
0x27: {  	v26 =	vperm.xlane v19, v15;
	v25 =	vperm.xlane v19, v2  }
0x28: {  	v27 =	vperm.xlane v20, v15;
	v28 =	vperm.xlane v20, v2  }
0x29: {  	s18 =	sadd.s32 s6, s17;
	v29 =	vperm.xlane v19, v12;
	v31 =	vperm.xlane v19, v13  }
0x2a: {  	s18 =	sshll.u32 s18, $0x4;
	v32 =	vperm.xlane v19, v10;
	v33 =	vperm.xlane v19, v3  }
0x2b: {  	v17 =	vld [tilespmem:s18+$0x800];
	v34 =	vperm.xlane v20, v12;
	v35 =	vperm.xlane v20, v13  }
0x2c: {  	v36 =	vperm.xlane v20, v0;
	v37 =	vperm.xlane v19, v7  }
0x2d: {  	v18 =	vld [tilespmem:s18+$0xA80];
	v38 =	vperm.xlane v19, v8;
	v39 =	vperm.xlane v20, v9  }
0x2e: {  	v23 =	vimm.f32 $+Inf;
	v40 =	vperm.xlane v19, v6;
	v41 =	vperm.xlane v20, v5  }
0x2f: {  	v30 =	vimm.f32 $0.0e+00;
	v42 =	vperm.xlane v20, v7;
	v43 =	vperm.xlane v20, v1  }
0x30: {  	v44 =	vperm.xlane v19, v4;
	v45 =	vperm.xlane v20, v8;
	v21 =	vsub.f32 v21, v17  }
0x31: {  	v46 =	vperm.xlane v20, v4;
	v24 =	vsub.f32 v24, v17;
	v25 =	vsub.f32 v25, v17  }
0x32: {  	v47 =	vperm.xlane v20, v3;
	v27 =	vsub.f32 v27, v18;
	v31 =	vsub.f32 v31, v17  }
0x33: {  	v48 =	vperm.xlane v19, v5;
	v28 =	vsub.f32 v28, v18;
	v33 =	vsub.f32 v33, v17  }
0x34: {  	v49 =	vperm.xlane v20, v6;
	v35 =	vsub.f32 v35, v18;
	v32 =	vsub.f32 v32, v17  }
0x35: {  	v56 =	vperm.xlane v20, v10;
	v29 =	vsub.f32 v29, v17;
	v34 =	vsub.f32 v34, v18  }
0x36: {  	v50 =	vperm.xlane v19, v9;
	v40 =	vsub.f32 v40, v17;
	v36 =	vsub.f32 v36, v18  }
0x37: {  	v19 =	vperm.xlane v19, v11;
	v37 =	vsub.f32 v37, v17;
	v42 =	vsub.f32 v42, v18  }
0x38: {  	v57 =	vperm.xlane v20, v11;
	v43 =	vsub.f32 v43, v18;
	v41 =	vsub.f32 v41, v18  }
0x39: {  	v20 =	vperm.xlane v20, v14;
	v46 =	vsub.f32 v46, v18;
	v47 =	vsub.f32 v47, v18  }
0x3a: {  	v48 =	vsub.f32 v48, v17;
	v55 =	vsub.f32 v45, v18;
	v21 =	vmul.f32 v21, v21  }
0x3b: {  	v44 =	vsub.f32 v44, v17;
	v24 =	vmul.f32 v24, v24;
	v25 =	vmul.f32 v25, v25  }
0x3c: {  	v38 =	vsub.f32 v38, v17;
	v33 =	vmul.f32 v33, v33;
	v35 =	vmul.f32 v35, v35  }
0x3d: {  	v39 =	vsub.f32 v39, v18;
	v32 =	vmul.f32 v32, v32;
	v28 =	vmul.f32 v28, v28  }
0x3e: {  	v50 =	vsub.f32 v50, v17;
	v40 =	vmul.f32 v40, v40;
	v37 =	vmul.f32 v37, v37  }
0x3f: {  	v19 =	vsub.f32 v19, v17;
	v42 =	vmul.f32 v42, v42;
	v41 =	vmul.f32 v41, v41  }
0x40: {  	v45 =	vsub.f32 v56, v18;
	v43 =	vmul.f32 v43, v43;
	v44 =	vmul.f32 v44, v44  }
0x41: {  	v59 =	vsub.f32 v49, v18;
	v47 =	vmul.f32 v47, v47;
	v38 =	vmul.f32 v38, v38  }
0x42: {  	v26 =	vsub.f32 v26, v17;
	v46 =	vmul.f32 v46, v46;
	v39 =	vmul.f32 v39, v39  }
0x43: {  	v20 =	vsub.f32 v20, v18;
	v29 =	vmul.f32 v29, v29;
	v45 =	vmul.f32 v45, v45  }
0x44: {  	v60 =	vmul.f32 v48, v48;
	v19 =	vmul.f32 v19, v19;
	v37 =	vadd.f32 v42, v37  }
0x45: {  	s18 =	simm.s32 $0xD80;
	v62 =	vmul.f32 v26, v26;
	v28 =	vadd.f32 v28, v25;
	v25 =	vmul.f32 v36, v36  }
0x46: {  	v63 =	vmul.f32 v20, v20;
	v27 =	vmul.f32 v27, v27;
	v33 =	vadd.f32 v47, v33;
	[tilespmem:s18+$0xFFFFFFF0] =	vst v37  }
0x47: {  	v42 =	vmul.f32 v55, v55;
	v58 =	vadd.f32 v46, v44;
	v21 =	vadd.f32 v25, v21;
	[tilespmem:s18+$0xFFFFFFA0] =	vst v28  }
0x48: {  	v36 =	vsub.f32 v57, v18;
	v24 =	vadd.f32 v43, v24;
	v25 =	vmul.f32 v50, v50;
	[tilespmem:s18+$0xFFFFFFB0] =	vst v33  }
0x49: {  	v61 =	vadd.f32 v41, v60;
	v38 =	vadd.f32 v42, v38;
	[tilespmem:s18+$0xFFFFFFC0] =	vst v58;
	v23 =	vmin.f32 v23, v21  }
0x4a: {  	v25 =	vadd.f32 v39, v25;
	v30 =	vmax.f32 v30, v21;
	[tilespmem:s18+$0xFFFFFF80] =	vst v21;
	v21 =	vmul.f32 v36, v36  }
0x4b: {  	[tilespmem:s18+$0xFFFFFF90] =	vst v24;
	v23 =	vmin.f32 v23, v24;
	v30 =	vmax.f32 v30, v24;
	v24 =	vmul.f32 v59, v59  }
0x4c: {  	[tilespmem:s18+$0xFFFFFFD0] =	vst v61;
	v26 =	vmin.f32 v23, v28;
	v28 =	vmax.f32 v30, v28;
	v23 =	vadd.f32 v21, v19  }
0x4d: {  	[tilespmem:s18+$0x0] =	vst v38;
	v21 =	vmul.f32 v34, v34;
	v19 =	vmax.f32 v28, v33;
	v26 =	vmin.f32 v26, v33  }
0x4e: {  	[tilespmem:s18+$0x10] =	vst v25;
	v24 =	vadd.f32 v24, v40;
	v28 =	vmax.f32 v19, v58;
	v19 =	vmin.f32 v26, v58  }
0x4f: {  	v26 =	vadd.f32 v21, v29;
	v21 =	vsub.f32 v22, v17;
	[tilespmem:s18+$0x30] =	vst v23;
	v29 =	vmul.f32 v31, v31  }
0x50: {  	v22 =	vmin.f32 v19, v61;
	v19 =	vadd.f32 v45, v32;
	v28 =	vmax.f32 v28, v61;
	[tilespmem:s18+$0xFFFFFFE0] =	vst v24  }
0x51: {  	[tilespmem:s18+$0x40] =	vst v26;
	v22 =	vmin.f32 v22, v24;
	v20 =	vadd.f32 v35, v29;
	v29 =	vmul.f32 v21, v21  }
0x52: {  	v24 =	vmax.f32 v28, v24;
	v21 =	vadd.f32 v27, v62;
	[tilespmem:s18+$0x20] =	vst v19;
	v22 =	vmin.f32 v22, v37  }
0x53: {  	v24 =	vmax.f32 v24, v37;
	v27 =	vmin.f32 v22, v38;
	[tilespmem:s18+$0x50] =	vst v20  }
0x54: {  	s20 =	simm.s32 $0x40;
	v22 =	vadd.f32 v63, v29;
	v24 =	vmax.f32 v24, v38;
	[tilespmem:s18+$0x70] =	vst v21;
	v27 =	vmin.f32 v27, v25  }
.LBB2_3:
0x55: {  	s19 =	smov.u32 s20  }
0x56: {  	s21 =	sshra.s32 s20, $0x2;
	v24 =	vmax.f32 v24, v25;
	v25 =	vmin.f32 v27, v19;
	[tilespmem:s18+$0x60] =	vst v22;
	s18 =	sadd.s32 $0x100, s18;
	s19 =	sadd.s32 $0x40, s20  }
0x57: {  	p0 =	sne.s32 s20, $0xFC0;
	v24 =	vmax.f32 v24, v19;
	v25 =	vmin.f32 v25, v23;
	v27 =	vld [tilespmem:s21+$0x0]  }
0x58: {  	v23 =	vmax.f32 v24, v23;
	v24 =	vmin.f32 v25, v26;
	v19 =	vld [tilespmem:s21+$0x400]  }
0x59: {  	v23 =	vmax.f32 v23, v26;
	v24 =	vmin.f32 v24, v20  }
0x5a: {  	v20 =	vmax.f32 v23, v20;
	v23 =	vmin.f32 v24, v22  }
0x5b: {  	v22 =	vmax.f32 v20, v22;
	v25 =	vmin.f32 v23, v21  }
0x5c: {  	v23 =	vmax.f32 v22, v21;
	v24 =	vperm.xlane v27, v0;
	v20 =	vperm.xlane v27, v14  }
0x5d: {  	v21 =	vperm.xlane v27, v1;
	v26 =	vperm.xlane v27, v15  }
0x5e: {  	v28 =	vperm.xlane v19, v15;
	v22 =	vsub.f32 v24, v17;
	v24 =	vperm.xlane v27, v2  }
0x5f: {  	v30 =	vperm.xlane v27, v12;
	v29 =	vperm.xlane v19, v2;
	v21 =	vsub.f32 v21, v17  }
0x60: {  	v31 =	vmul.f32 v22, v22;
	v24 =	vsub.f32 v24, v17;
	v22 =	vperm.xlane v27, v13  }
0x61: {  	v33 =	vperm.xlane v27, v10;
	v32 =	vmul.f32 v21, v21;
	v21 =	vsub.f32 v28, v18  }
0x62: {  	v34 =	vperm.xlane v19, v12;
	v28 =	vperm.xlane v27, v3;
	v22 =	vsub.f32 v22, v17  }
0x63: {  	v29 =	vsub.f32 v29, v18;
	v35 =	vmul.f32 v24, v24;
	v24 =	vperm.xlane v19, v13  }
0x64: {  	v36 =	vperm.xlane v19, v0;
	v33 =	vsub.f32 v33, v17;
	v28 =	vsub.f32 v28, v17  }
0x65: {  	v37 =	vperm.xlane v27, v7;
	v38 =	vperm.xlane v27, v8;
	v24 =	vsub.f32 v24, v18  }
0x66: {  	v39 =	vperm.xlane v19, v9;
	v30 =	vsub.f32 v30, v17;
	v28 =	vmul.f32 v28, v28  }
0x67: {  	v40 =	vperm.xlane v27, v6;
	v34 =	vsub.f32 v34, v18;
	v24 =	vmul.f32 v24, v24  }
0x68: {  	v41 =	vperm.xlane v19, v5;
	v36 =	vsub.f32 v36, v18;
	v33 =	vmul.f32 v33, v33  }
0x69: {  	v42 =	vperm.xlane v19, v7;
	v40 =	vsub.f32 v40, v17;
	v29 =	vmul.f32 v29, v29  }
0x6a: {  	v44 =	vperm.xlane v27, v4;
	v43 =	vperm.xlane v19, v1;
	v37 =	vsub.f32 v37, v17  }
0x6b: {  	v45 =	vperm.xlane v19, v8;
	v42 =	vsub.f32 v42, v18;
	v40 =	vmul.f32 v40, v40  }
0x6c: {  	v46 =	vperm.xlane v19, v3;
	v47 =	vperm.xlane v19, v4;
	v43 =	vsub.f32 v43, v18  }
0x6d: {  	v48 =	vperm.xlane v27, v5;
	v41 =	vsub.f32 v41, v18;
	v37 =	vmul.f32 v37, v37  }
0x6e: {  	v49 =	vperm.xlane v19, v6;
	v47 =	vsub.f32 v47, v18;
	v42 =	vmul.f32 v42, v42  }
0x6f: {  	v48 =	vsub.f32 v48, v17;
	v46 =	vsub.f32 v46, v18;
	v41 =	vmul.f32 v41, v41  }
0x70: {  	v37 =	vadd.f32 v42, v37;
	v42 =	vsub.f32 v45, v18;
	v45 =	vperm.xlane v19, v10  }
0x71: {  	v50 =	vperm.xlane v27, v9;
	v44 =	vsub.f32 v44, v17;
	v38 =	vsub.f32 v38, v17  }
0x72: {  	v27 =	vperm.xlane v27, v11;
	v29 =	vadd.f32 v29, v35;
	v35 =	vmul.f32 v42, v42;
	[tilespmem:s18+$0xFFFFFFF0] =	vst v37  }
0x73: {  	v39 =	vsub.f32 v39, v18;
	v36 =	vmul.f32 v36, v36;
	v42 =	vperm.xlane v19, v11  }
0x74: {  	v50 =	vsub.f32 v50, v17;
	v44 =	vmul.f32 v44, v44;
	v43 =	vmul.f32 v43, v43;
	[tilespmem:s18+$0xFFFFFFA0] =	vst v29  }
0x75: {  	v38 =	vmul.f32 v38, v38;
	v46 =	vmul.f32 v46, v46;
	v42 =	vsub.f32 v42, v18  }
0x76: {  	v47 =	vmul.f32 v47, v47;
	v39 =	vmul.f32 v39, v39;
	v27 =	vsub.f32 v27, v17  }
0x77: {  	v30 =	vmul.f32 v30, v30;
	v45 =	vsub.f32 v45, v18;
	v28 =	vadd.f32 v46, v28  }
0x78: {  	v31 =	vadd.f32 v36, v31;
	v36 =	vmul.f32 v50, v50;
	v35 =	vadd.f32 v35, v38  }
0x79: {  	v38 =	vadd.f32 v47, v44;
	v44 =	vsub.f32 v49, v18;
	v45 =	vmul.f32 v45, v45;
	[tilespmem:s18+$0xFFFFFFB0] =	vst v28  }
0x7a: {  	v32 =	vadd.f32 v43, v32;
	v46 =	vmin.f32 v25, v31;
	v25 =	vadd.f32 v39, v36;
	[tilespmem:s18+$0xFFFFFF80] =	vst v31  }
0x7b: {  	v26 =	vsub.f32 v26, v17;
	v27 =	vmul.f32 v27, v27;
	v36 =	vmul.f32 v48, v48;
	[tilespmem:s18+$0xFFFFFFC0] =	vst v38  }
0x7c: {  	v23 =	vmax.f32 v23, v31;
	v39 =	vmul.f32 v42, v42;
	v31 =	vmin.f32 v46, v32;
	[tilespmem:s18+$0x10] =	vst v25  }
0x7d: {  	v23 =	vmax.f32 v23, v32;
	[tilespmem:s18+$0xFFFFFF90] =	vst v32;
	v32 =	vadd.f32 v41, v36;
	v36 =	vmul.f32 v26, v26  }
0x7e: {  	v26 =	vmin.f32 v31, v29;
	v29 =	vmax.f32 v23, v29;
	v23 =	vadd.f32 v39, v27;
	[tilespmem:s18+$0x0] =	vst v35  }
0x7f: {  	v31 =	vmul.f32 v34, v34;
	v27 =	vmax.f32 v29, v28;
	v29 =	vmul.f32 v44, v44;
	[tilespmem:s18+$0xFFFFFFD0] =	vst v32  }
0x80: {  	v19 =	vperm.xlane v19, v14;
	v26 =	vmin.f32 v26, v28;
	v27 =	vmax.f32 v27, v38;
	[tilespmem:s18+$0x30] =	vst v23  }
0x81: {  	v28 =	vmin.f32 v26, v38;
	v26 =	vadd.f32 v31, v30;
	v30 =	vsub.f32 v20, v17  }
0x82: {  	v20 =	vmin.f32 v28, v32;
	v27 =	vmax.f32 v27, v32;
	v28 =	vsub.f32 v19, v18  }
0x83: {  	v22 =	vmul.f32 v22, v22;
	v29 =	vadd.f32 v29, v40;
	v19 =	vadd.f32 v45, v33;
	[tilespmem:s18+$0x40] =	vst v26  }
.Ltmp0:
0x84: {  	v21 =	vmul.f32 v21, v21;
	v28 =	vmul.f32 v28, v28;
	(pc) =	sbr.rel @p0 .LBB2_3-.Ltmp0, $4  }
0x85: {  	v31 =	vmin.f32 v20, v29;
	v20 =	vadd.f32 v24, v22;
	v22 =	vmul.f32 v30, v30;
	[tilespmem:s18+$0x20] =	vst v19  }
0x86: {  	v21 =	vadd.f32 v21, v36;
	v24 =	vmax.f32 v27, v29;
	v27 =	vmin.f32 v31, v37;
	[tilespmem:s18+$0xFFFFFFE0] =	vst v29  }
0x87: {  	v24 =	vmax.f32 v24, v37;
	v27 =	vmin.f32 v27, v35;
	v22 =	vadd.f32 v28, v22;
	[tilespmem:s18+$0x50] =	vst v20  }
0x88: {  	s20 =	smov.u32 s19;
	v24 =	vmax.f32 v24, v35;
	v27 =	vmin.f32 v27, v25;
	[tilespmem:s18+$0x70] =	vst v21  }
0x89: {  	v17 =	vmax.f32 v24, v25  }
0x8a: {  	v18 =	vmin.f32 v27, v19;
	v17 =	vmax.f32 v17, v19  }
0x8b: {  	v18 =	vmin.f32 v18, v23;
	v17 =	vmax.f32 v17, v23  }
0x8c: {  	v18 =	vmin.f32 v18, v26;
	v17 =	vmax.f32 v17, v26  }
0x8d: {  	v18 =	vmin.f32 v18, v20;
	v17 =	vmax.f32 v17, v20  }
0x8e: {  	v18 =	vmin.f32 v18, v22;
	v17 =	vmax.f32 v17, v22  }
0x8f: {  	[tilespmem:s18+$0x60] =	vst v22;
	s18 =	simm.s32 $0x0;
	v18 =	vmin.f32 v18, v21;
	v17 =	vmax.f32 v17, v21  }
.LBB2_5:
0x90: {  	s21 =	simm.s32 $0x0  }
0x91: {  	v20 =	vld [tilespmem:s21+$0xD00]  }
0x92: {  	v21 =	vld [tilespmem:s21+$0xD10]  }
0x93: {  	v19 =	vsub.s32 v17, v18;
	v22 =	vld [tilespmem:s21+$0xD20]  }
0x94: {  	v19 =	vshrl.u32 v19, $0x1;
	v23 =	vld [tilespmem:s21+$0xD30]  }
0x95: {  	v24 =	vld [tilespmem:s21+$0xD40];
	v19 =	vadd.s32 v18, v19  }
0x96: {  	vm0 =	vle.s32 v20, v19;
	v20 =	vld [tilespmem:s21+$0xD50]  }
0x97: {  	v25 =	vimm.s32 $0x0;
	v26 =	vsel vm0, $0x1, v0;
	vm0 =	vle.s32 v21, v19;
	v21 =	vld [tilespmem:s21+$0xD60]  }
0x98: {  	v25 =	vadd.s32 v26, v25;
	v26 =	vsel vm0, $0x1, v0;
	vm0 =	vle.s32 v22, v19;
	v22 =	vld [tilespmem:s21+$0xD70]  }
0x99: {  	v25 =	vadd.s32 v26, v25;
	v26 =	vsel vm0, $0x1, v0;
	vm0 =	vle.s32 v23, v19;
	v23 =	vld [tilespmem:s21+$0xD80]  }
0x9a: {  	v25 =	vadd.s32 v26, v25;
	v26 =	vsel vm0, $0x1, v0;
	vm0 =	vle.s32 v24, v19;
	v24 =	vld [tilespmem:s21+$0xD90]  }
0x9b: {  	v27 =	vld [tilespmem:s21+$0xDA0];
	v25 =	vadd.s32 v26, v25;
	v26 =	vsel vm0, $0x1, v0;
	vm0 =	vle.s32 v20, v19  }
0x9c: {  	v20 =	vld [tilespmem:s21+$0xDB0];
	v25 =	vadd.s32 v26, v25;
	v26 =	vsel vm0, $0x1, v0;
	vm0 =	vle.s32 v21, v19  }
0x9d: {  	v21 =	vld [tilespmem:s21+$0xDC0];
	v25 =	vadd.s32 v26, v25;
	v26 =	vsel vm0, $0x1, v0;
	vm0 =	vle.s32 v22, v19  }
0x9e: {  	v22 =	vld [tilespmem:s21+$0xDD0];
	v25 =	vadd.s32 v26, v25;
	v26 =	vsel vm0, $0x1, v0;
	vm0 =	vle.s32 v23, v19  }
0x9f: {  	v23 =	vld [tilespmem:s21+$0xDE0];
	v25 =	vadd.s32 v26, v25;
	v26 =	vsel vm0, $0x1, v0;
	vm0 =	vle.s32 v24, v19  }
0xa0: {  	s19 =	simm.s32 $0x100;
	s20 =	simm.s32 $0x800;
	v24 =	vld [tilespmem:s21+$0xDF0];
	v25 =	vadd.s32 v26, v25;
	v26 =	vsel vm0, $0x1, v0;
	vm0 =	vle.s32 v27, v19  }
.LBB2_6:
0xa1: {  	p0 =	sne.s32 s20, $0xFC00;
	v27 =	vld [tilespmem:s19+$0xD00];
	v25 =	vadd.s32 v26, v25;
	v26 =	vsel vm0, $0x1, v0;
	vm0 =	vle.s32 v20, v19  }
0xa2: {  	v20 =	vld [tilespmem:s19+$0xD10];
	v25 =	vadd.s32 v26, v25;
	v26 =	vsel vm0, $0x1, v0;
	vm0 =	vle.s32 v21, v19  }
0xa3: {  	v21 =	vld [tilespmem:s19+$0xD20];
	v25 =	vadd.s32 v26, v25;
	v26 =	vsel vm0, $0x1, v0;
	vm0 =	vle.s32 v22, v19  }
0xa4: {  	v22 =	vld [tilespmem:s19+$0xD30];
	v25 =	vadd.s32 v26, v25;
	v26 =	vsel vm0, $0x1, v0;
	vm0 =	vle.s32 v23, v19  }
0xa5: {  	v23 =	vld [tilespmem:s19+$0xD40];
	v25 =	vadd.s32 v26, v25;
	v26 =	vsel vm0, $0x1, v0;
	vm0 =	vle.s32 v24, v19  }
0xa6: {  	vm1 =	vle.s32 v27, v19;
	v24 =	vld [tilespmem:s19+$0xD50];
	v25 =	vadd.s32 v26, v25;
	v26 =	vsel vm0, $0x1, v0  }
0xa7: {  	v27 =	vsel vm1, $0x1, v0;
	vm0 =	vle.s32 v20, v19;
	v20 =	vld [tilespmem:s19+$0xD60];
	v25 =	vadd.s32 v26, v25  }
0xa8: {  	v25 =	vadd.s32 v27, v25;
	v26 =	vsel vm0, $0x1, v0;
	vm0 =	vle.s32 v21, v19;
	v21 =	vld [tilespmem:s19+$0xD70]  }
0xa9: {  	v25 =	vadd.s32 v26, v25;
	v26 =	vsel vm0, $0x1, v0;
	vm0 =	vle.s32 v22, v19;
	v22 =	vld [tilespmem:s19+$0xD80]  }
0xaa: {  	v25 =	vadd.s32 v26, v25;
	v26 =	vsel vm0, $0x1, v0;
	vm0 =	vle.s32 v23, v19;
	v23 =	vld [tilespmem:s19+$0xD90]  }
0xab: {  	v25 =	vadd.s32 v26, v25;
	v26 =	vsel vm0, $0x1, v0;
	vm0 =	vle.s32 v24, v19;
	v24 =	vld [tilespmem:s19+$0xDA0]  }
.Ltmp1:
0xac: {  	v25 =	vadd.s32 v26, v25;
	v26 =	vsel vm0, $0x1, v0;
	vm0 =	vle.s32 v20, v19;
	v20 =	vld [tilespmem:s19+$0xDB0];
	(pc) =	sbr.rel @p0 .LBB2_6-.Ltmp1, $4  }
0xad: {  	v25 =	vadd.s32 v26, v25;
	v26 =	vsel vm0, $0x1, v0;
	vm0 =	vle.s32 v21, v19;
	v21 =	vld [tilespmem:s19+$0xDC0]  }
0xae: {  	v25 =	vadd.s32 v26, v25;
	v26 =	vsel vm0, $0x1, v0;
	vm0 =	vle.s32 v22, v19;
	v22 =	vld [tilespmem:s19+$0xDD0]  }
0xaf: {  	v25 =	vadd.s32 v26, v25;
	v26 =	vsel vm0, $0x1, v0;
	vm0 =	vle.s32 v23, v19;
	v23 =	vld [tilespmem:s19+$0xDE0]  }
0xb0: {  	v25 =	vadd.s32 v26, v25;
	v26 =	vsel vm0, $0x1, v0;
	vm0 =	vle.s32 v24, v19;
	v24 =	vld [tilespmem:s19+$0xDF0];
	s19 =	sshra.s32 s20, $0x2;
	s20 =	sadd.s32 $0x400, s20  }
0xb1: {  	v27 =	vld [tilespmem:s19+$0xD00];
	v25 =	vadd.s32 v26, v25;
	v32 =	vsel vm0, $0x1, v0;
	vm7 =	vle.s32 v20, v19  }
0xb2: {  	v20 =	vld [tilespmem:s19+$0xD10];
	v25 =	vadd.s32 v32, v25;
	v33 =	vsel vm7, $0x1, v0;
	vm8 =	vle.s32 v21, v19  }
0xb3: {  	v34 =	vld [tilespmem:s19+$0xD20];
	v25 =	vadd.s32 v33, v25;
	v35 =	vsel vm8, $0x1, v0;
	vm9 =	vle.s32 v22, v19  }
0xb4: {  	v36 =	vld [tilespmem:s19+$0xD30];
	v25 =	vadd.s32 v35, v25;
	v37 =	vsel vm9, $0x1, v0;
	vm10 =	vle.s32 v23, v19  }
0xb5: {  	v38 =	vld [tilespmem:s19+$0xD40];
	v25 =	vadd.s32 v37, v25;
	v39 =	vsel vm10, $0x1, v0;
	vm11 =	vle.s32 v24, v19  }
0xb6: {  	v40 =	vld [tilespmem:s19+$0xD50];
	vm1 =	vle.s32 v27, v19;
	v25 =	vadd.s32 v39, v25;
	v41 =	vsel vm11, $0x1, v0  }
0xb7: {  	vm12 =	vle.s32 v20, v19;
	v20 =	vld [tilespmem:s19+$0xD60];
	v27 =	vsel vm1, $0x1, v0;
	v25 =	vadd.s32 v41, v25  }
0xb8: {  	v43 =	vld [tilespmem:s19+$0xD70];
	vm13 =	vle.s32 v34, v19;
	v42 =	vsel vm12, $0x1, v0;
	v25 =	vadd.s32 v27, v25  }
0xb9: {  	v45 =	vld [tilespmem:s19+$0xD80];
	vm14 =	vle.s32 v36, v19;
	v44 =	vsel vm13, $0x1, v0;
	v25 =	vadd.s32 v42, v25  }
0xba: {  	v47 =	vld [tilespmem:s19+$0xD90];
	vm15 =	vle.s32 v38, v19;
	v46 =	vsel vm14, $0x1, v0;
	v25 =	vadd.s32 v44, v25  }
0xbb: {  	v49 =	vld [tilespmem:s19+$0xDA0];
	vm4 =	vle.s32 v40, v19;
	v48 =	vsel vm15, $0x1, v0;
	v25 =	vadd.s32 v46, v25  }
0xbc: {  	v50 =	vsel vm4, $0x1, v0;
	vm5 =	vle.s32 v20, v19;
	v20 =	vld [tilespmem:s19+$0xDB0];
	v25 =	vadd.s32 v48, v25  }
0xbd: {  	v52 =	vld [tilespmem:s19+$0xDC0];
	vm6 =	vle.s32 v43, v19;
	v51 =	vsel vm5, $0x1, v0;
	v25 =	vadd.s32 v50, v25  }
0xbe: {  	v54 =	vld [tilespmem:s19+$0xDD0];
	vm7 =	vle.s32 v45, v19;
	v53 =	vsel vm6, $0x1, v0;
	v25 =	vadd.s32 v51, v25  }
0xbf: {  	v56 =	vld [tilespmem:s19+$0xDE0];
	vm8 =	vle.s32 v47, v19;
	v55 =	vsel vm7, $0x1, v0;
	v25 =	vadd.s32 v53, v25  }
0xc0: {  	v58 =	vld [tilespmem:s19+$0xDF0];
	vm9 =	vle.s32 v49, v19;
	v57 =	vsel vm8, $0x1, v0;
	v25 =	vadd.s32 v55, v25  }
0xc1: {  	v59 =	vsel vm9, $0x1, v0;
	vm10 =	vle.s32 v20, v19;
	v25 =	vadd.s32 v57, v25  }
0xc2: {  	vm11 =	vle.s32 v52, v19;
	v60 =	vsel vm10, $0x1, v0;
	v20 =	vadd.s32 v59, v25  }
0xc3: {  	s18 =	sadd.s32 $0x1, s18;
	v21 =	vsel vm11, $0x1, v0;
	vm12 =	vle.s32 v54, v19;
	v20 =	vadd.s32 v60, v20  }
0xc4: {  	p0 =	sne.s32 s18, $0xC;
	vm13 =	vle.s32 v56, v19;
	v61 =	vsel vm12, $0x1, v0;
	v20 =	vadd.s32 v21, v20  }
.Ltmp2:
0xc5: {  	vm14 =	vle.s32 v58, v19;
	v62 =	vsel vm13, $0x1, v0;
	v20 =	vadd.s32 v61, v20;
	(pc) =	sbr.rel @p0 .LBB2_5-.Ltmp2, $4  }
0xc6: {  	v63 =	vsel vm14, $0x1, v0;
	v20 =	vadd.s32 v62, v20  }
0xc7: {  	v20 =	vadd.s32 v63, v20  }
0xc8: {  	vm15 =	vgt.s32 v20, $0x133;
	v20 =	vadd.s32 $0x1, v19  }
0xc9: {  	v18 =	vsel vm15, v18, v20;
	v17 =	vsel vm15, v19, v17  }
0xca: {  	s18 =	simm.s32 $0x0  }
0xcb: {  	v18 =	vld [tilespmem:s18+$0xD00];
	_ =	sdelay $0x1  }
0xcc: {  	v19 =	vld [tilespmem:s18+$0xD10];
	_ =	sdelay $0x1  }
0xcd: {  	v20 =	vld [tilespmem:s18+$0xD20]  }
0xce: {  	vm0 =	vlt.f32 v18, v17  }
0xcf: {  	v21 =	vimm.f32 $0.0e+00;
	v23 =	vld [tilespmem:s18+$0xD30];
	v22 =	vsel vm0, $0x3F800000, v16;
	v18 =	vnsel vm0, $0x0, v18  }
0xd0: {  	vm0 =	vlt.f32 v19, v17;
	v22 =	vadd.f32 v22, v21;
	v18 =	vadd.f32 v18, v21  }
0xd1: {  	v24 =	vld [tilespmem:s18+$0xD40];
	v21 =	vsel vm0, $0x3F800000, v16;
	v19 =	vnsel vm0, $0x0, v19  }
0xd2: {  	vm0 =	vlt.f32 v20, v17;
	v21 =	vadd.f32 v21, v22;
	v18 =	vadd.f32 v19, v18  }
0xd3: {  	v20 =	vnsel vm0, $0x0, v20;
	v19 =	vsel vm0, $0x3F800000, v16;
	v22 =	vld [tilespmem:s18+$0xD50]  }
0xd4: {  	vm0 =	vlt.f32 v23, v17;
	v19 =	vadd.f32 v19, v21;
	v18 =	vadd.f32 v20, v18  }
0xd5: {  	v20 =	vsel vm0, $0x3F800000, v16;
	v21 =	vnsel vm0, $0x0, v23;
	v23 =	vld [tilespmem:s18+$0xD60]  }
0xd6: {  	vm0 =	vlt.f32 v24, v17;
	v19 =	vadd.f32 v20, v19;
	v18 =	vadd.f32 v21, v18  }
0xd7: {  	v62 =	vld [tilespmem:s18+$0xD70];
	v20 =	vsel vm0, $0x3F800000, v16;
	v21 =	vnsel vm0, $0x0, v24  }
0xd8: {  	vm0 =	vlt.f32 v22, v17;
	v19 =	vadd.f32 v20, v19;
	v18 =	vadd.f32 v21, v18  }
0xd9: {  	v20 =	vsel vm0, $0x3F800000, v16;
	v21 =	vnsel vm0, $0x0, v22;
	v22 =	vld [tilespmem:s18+$0xD80]  }
0xda: {  	vm0 =	vlt.f32 v23, v17;
	v19 =	vadd.f32 v20, v19;
	v18 =	vadd.f32 v21, v18  }
0xdb: {  	v20 =	vsel vm0, $0x3F800000, v16;
	v21 =	vnsel vm0, $0x0, v23;
	v23 =	vld [tilespmem:s18+$0xD90]  }
0xdc: {  	vm0 =	vlt.f32 v62, v17;
	v19 =	vadd.f32 v20, v19;
	v18 =	vadd.f32 v21, v18  }
0xdd: {  	v63 =	vld [tilespmem:s18+$0xDA0];
	v20 =	vsel vm0, $0x3F800000, v16;
	v21 =	vnsel vm0, $0x0, v62  }
0xde: {  	vm0 =	vlt.f32 v22, v17;
	v19 =	vadd.f32 v20, v19;
	v18 =	vadd.f32 v21, v18  }
0xdf: {  	v20 =	vsel vm0, $0x3F800000, v16;
	v21 =	vnsel vm0, $0x0, v22;
	v22 =	vld [tilespmem:s18+$0xDB0]  }
0xe0: {  	vm0 =	vlt.f32 v23, v17;
	v19 =	vadd.f32 v20, v19;
	v18 =	vadd.f32 v21, v18  }
0xe1: {  	v20 =	vsel vm0, $0x3F800000, v16;
	v21 =	vnsel vm0, $0x0, v23  }
0xe2: {  	v23 =	vld [tilespmem:s18+$0xDC0];
	vm0 =	vlt.f32 v63, v17;
	v19 =	vadd.f32 v20, v19;
	v20 =	vadd.f32 v21, v18  }
0xe3: {  	v24 =	vnsel vm0, $0x0, v63  }
0xe4: {  	v21 =	vsel vm0, $0x3F800000, v16;
	v18 =	vld [tilespmem:s18+$0xDD0];
	vm0 =	vlt.f32 v22, v17;
	v20 =	vadd.f32 v24, v20  }
0xe5: {  	v19 =	vadd.f32 v21, v19;
	v22 =	vnsel vm0, $0x0, v22  }
0xe6: {  	v21 =	vsel vm0, $0x3F800000, v16;
	v24 =	vadd.f32 v22, v20;
	v20 =	vld [tilespmem:s18+$0xDE0]  }
0xe7: {  	vm0 =	vlt.f32 v23, v17;
	v21 =	vadd.f32 v21, v19  }
0xe8: {  	v22 =	vsel vm0, $0x3F800000, v16;
	v23 =	vnsel vm0, $0x0, v23;
	v19 =	vld [tilespmem:s18+$0xDF0]  }
0xe9: {  	s19 =	simm.s32 $0x800;
	s18 =	simm.s32 $0x100;
	vm0 =	vlt.f32 v18, v17;
	v22 =	vadd.f32 v22, v21;
	v21 =	vadd.f32 v23, v24  }
.LBB2_9:
0xea: {  	p0 =	sne.s32 s19, $0xFC00;
	v23 =	vld [tilespmem:s18+$0xD00];
	v24 =	vsel vm0, $0x3F800000, v16;
	v18 =	vnsel vm0, $0x0, v18  }
0xeb: {  	v22 =	vadd.f32 v24, v22;
	v18 =	vadd.f32 v18, v21;
	vm0 =	vlt.f32 v20, v17  }
0xec: {  	v21 =	vld [tilespmem:s18+$0xD10];
	v24 =	vsel vm0, $0x3F800000, v16;
	v20 =	vnsel vm0, $0x0, v20  }
0xed: {  	v22 =	vadd.f32 v24, v22;
	v18 =	vadd.f32 v20, v18;
	vm0 =	vlt.f32 v19, v17  }
0xee: {  	v20 =	vld [tilespmem:s18+$0xD20];
	v24 =	vsel vm0, $0x3F800000, v16;
	v19 =	vnsel vm0, $0x0, v19  }
0xef: {  	vm0 =	vlt.f32 v23, v17;
	v22 =	vadd.f32 v24, v22;
	v18 =	vadd.f32 v19, v18  }
0xf0: {  	v19 =	vsel vm0, $0x3F800000, v16;
	v23 =	vnsel vm0, $0x0, v23;
	v24 =	vld [tilespmem:s18+$0xD30]  }
0xf1: {  	v19 =	vadd.f32 v19, v22;
	v18 =	vadd.f32 v23, v18;
	vm0 =	vlt.f32 v21, v17  }
0xf2: {  	v22 =	vsel vm0, $0x3F800000, v16;
	v21 =	vnsel vm0, $0x0, v21;
	v23 =	vld [tilespmem:s18+$0xD40]  }
0xf3: {  	v19 =	vadd.f32 v22, v19;
	v18 =	vadd.f32 v21, v18;
	vm0 =	vlt.f32 v20, v17  }
0xf4: {  	v21 =	vsel vm0, $0x3F800000, v16;
	v20 =	vnsel vm0, $0x0, v20;
	v22 =	vld [tilespmem:s18+$0xD50]  }
0xf5: {  	v19 =	vadd.f32 v21, v19;
	v18 =	vadd.f32 v20, v18;
	vm0 =	vlt.f32 v24, v17  }
0xf6: {  	v20 =	vsel vm0, $0x3F800000, v16;
	v21 =	vnsel vm0, $0x0, v24;
	v24 =	vld [tilespmem:s18+$0xD60]  }
0xf7: {  	v19 =	vadd.f32 v20, v19;
	v18 =	vadd.f32 v21, v18;
	vm0 =	vlt.f32 v23, v17  }
0xf8: {  	v20 =	vsel vm0, $0x3F800000, v16;
	v21 =	vnsel vm0, $0x0, v23;
	v23 =	vld [tilespmem:s18+$0xD70]  }
0xf9: {  	v19 =	vadd.f32 v20, v19;
	v18 =	vadd.f32 v21, v18;
	vm0 =	vlt.f32 v22, v17  }
0xfa: {  	v20 =	vsel vm0, $0x3F800000, v16;
	v21 =	vnsel vm0, $0x0, v22;
	v22 =	vld [tilespmem:s18+$0xD80]  }
0xfb: {  	v19 =	vadd.f32 v20, v19;
	v18 =	vadd.f32 v21, v18;
	vm0 =	vlt.f32 v24, v17  }
0xfc: {  	v20 =	vsel vm0, $0x3F800000, v16;
	v21 =	vnsel vm0, $0x0, v24;
	v24 =	vld [tilespmem:s18+$0xD90]  }
0xfd: {  	v19 =	vadd.f32 v20, v19;
	v18 =	vadd.f32 v21, v18;
	vm0 =	vlt.f32 v23, v17  }
0xfe: {  	v20 =	vsel vm0, $0x3F800000, v16;
	v21 =	vnsel vm0, $0x0, v23;
	v23 =	vld [tilespmem:s18+$0xDA0]  }
0xff: {  	v19 =	vadd.f32 v20, v19;
	v18 =	vadd.f32 v21, v18;
	vm0 =	vlt.f32 v22, v17  }
0x100: {  	v20 =	vsel vm0, $0x3F800000, v16;
	v21 =	vnsel vm0, $0x0, v22;
	v22 =	vld [tilespmem:s18+$0xDB0]  }
0x101: {  	v19 =	vadd.f32 v20, v19;
	v18 =	vadd.f32 v21, v18;
	vm0 =	vlt.f32 v24, v17  }
0x102: {  	v20 =	vsel vm0, $0x3F800000, v16;
	v21 =	vnsel vm0, $0x0, v24;
	v24 =	vld [tilespmem:s18+$0xDC0]  }
0x103: {  	v19 =	vadd.f32 v20, v19;
	v20 =	vadd.f32 v21, v18;
	vm0 =	vlt.f32 v23, v17  }
0x104: {  	v21 =	vsel vm0, $0x3F800000, v16;
	v23 =	vnsel vm0, $0x0, v23;
	v18 =	vld [tilespmem:s18+$0xDD0]  }
.Ltmp3:
0x105: {  	v19 =	vadd.f32 v21, v19;
	v21 =	vadd.f32 v23, v20;
	vm0 =	vlt.f32 v22, v17;
	(pc) =	sbr.rel @p0 .LBB2_9-.Ltmp3, $4  }
0x106: {  	v23 =	vsel vm0, $0x3F800000, v16;
	v22 =	vnsel vm0, $0x0, v22;
	v20 =	vld [tilespmem:s18+$0xDE0]  }
0x107: {  	v23 =	vadd.f32 v23, v19;
	v21 =	vadd.f32 v22, v21;
	vm0 =	vlt.f32 v24, v17  }
0x108: {  	v22 =	vsel vm0, $0x3F800000, v16;
	v24 =	vnsel vm0, $0x0, v24;
	v19 =	vld [tilespmem:s18+$0xDF0]  }
0x109: {  	s18 =	sshra.s32 s19, $0x2;
	s19 =	sadd.s32 $0x400, s19;
	v22 =	vadd.f32 v22, v23;
	v21 =	vadd.f32 v24, v21;
	vm0 =	vlt.f32 v18, v17  }
0x10a: {  	v23 =	vld [tilespmem:s18+$0xD00];
	v24 =	vsel vm0, $0x3F800000, v16  }
0x10b: {  	v22 =	vadd.f32 v24, v22;
	vm1 =	vlt.f32 v20, v17  }
0x10c: {  	v50 =	vld [tilespmem:s18+$0xD10];
	v25 =	vsel vm1, $0x3F800000, v16  }
0x10d: {  	v22 =	vadd.f32 v25, v22;
	vm2 =	vlt.f32 v19, v17  }
0x10e: {  	v18 =	vnsel vm0, $0x0, v18;
	v51 =	vld [tilespmem:s18+$0xD20];
	v26 =	vsel vm2, $0x3F800000, v16  }
0x10f: {  	v18 =	vadd.f32 v18, v21;
	vm12 =	vlt.f32 v23, v17;
	v52 =	vadd.f32 v26, v22  }
0x110: {  	v54 =	vld [tilespmem:s18+$0xD30];
	v20 =	vnsel vm1, $0x0, v20;
	v53 =	vsel vm12, $0x3F800000, v16  }
0x111: {  	v18 =	vadd.f32 v20, v18;
	vm13 =	vlt.f32 v50, v17;
	v55 =	vadd.f32 v53, v52  }
0x112: {  	v57 =	vld [tilespmem:s18+$0xD40];
	v19 =	vnsel vm2, $0x0, v19;
	v56 =	vsel vm13, $0x3F800000, v16  }
0x113: {  	v18 =	vadd.f32 v19, v18;
	vm14 =	vlt.f32 v51, v17;
	v19 =	vadd.f32 v56, v55  }
0x114: {  	v60 =	vld [tilespmem:s18+$0xD50];
	v58 =	vnsel vm12, $0x0, v23;
	v59 =	vsel vm14, $0x3F800000, v16  }
0x115: {  	vm15 =	vlt.f32 v54, v17;
	v18 =	vadd.f32 v58, v18;
	v19 =	vadd.f32 v59, v19  }
0x116: {  	v63 =	vld [tilespmem:s18+$0xD60];
	v61 =	vnsel vm13, $0x0, v50;
	v62 =	vsel vm15, $0x3F800000, v16  }
0x117: {  	vm4 =	vlt.f32 v57, v17;
	v18 =	vadd.f32 v61, v18;
	v19 =	vadd.f32 v62, v19  }
0x118: {  	v30 =	vld [tilespmem:s18+$0xD70];
	v28 =	vnsel vm14, $0x0, v51;
	v29 =	vsel vm4, $0x3F800000, v16  }
0x119: {  	vm5 =	vlt.f32 v60, v17;
	v18 =	vadd.f32 v28, v18;
	v19 =	vadd.f32 v29, v19  }
0x11a: {  	v33 =	vld [tilespmem:s18+$0xD80];
	v31 =	vnsel vm15, $0x0, v54;
	v32 =	vsel vm5, $0x3F800000, v16  }
0x11b: {  	vm6 =	vlt.f32 v63, v17;
	v18 =	vadd.f32 v31, v18;
	v19 =	vadd.f32 v32, v19  }
0x11c: {  	v36 =	vld [tilespmem:s18+$0xD90];
	v34 =	vnsel vm4, $0x0, v57;
	v35 =	vsel vm6, $0x3F800000, v16  }
0x11d: {  	vm7 =	vlt.f32 v30, v17;
	v18 =	vadd.f32 v34, v18;
	v19 =	vadd.f32 v35, v19  }
0x11e: {  	v39 =	vld [tilespmem:s18+$0xDA0];
	v37 =	vnsel vm5, $0x0, v60;
	v38 =	vsel vm7, $0x3F800000, v16  }
0x11f: {  	vm8 =	vlt.f32 v33, v17;
	v18 =	vadd.f32 v37, v18;
	v19 =	vadd.f32 v38, v19  }
0x120: {  	v42 =	vld [tilespmem:s18+$0xDB0];
	v40 =	vnsel vm6, $0x0, v63;
	v41 =	vsel vm8, $0x3F800000, v16  }
0x121: {  	vm9 =	vlt.f32 v36, v17;
	v18 =	vadd.f32 v40, v18;
	v19 =	vadd.f32 v41, v19  }
0x122: {  	v45 =	vld [tilespmem:s18+$0xDC0];
	v43 =	vnsel vm7, $0x0, v30;
	v44 =	vsel vm9, $0x3F800000, v16  }
0x123: {  	vm10 =	vlt.f32 v39, v17;
	v18 =	vadd.f32 v43, v18;
	v19 =	vadd.f32 v44, v19  }
0x124: {  	v48 =	vld [tilespmem:s18+$0xDD0];
	v46 =	vnsel vm8, $0x0, v33;
	v47 =	vsel vm10, $0x3F800000, v16  }
0x125: {  	vm11 =	vlt.f32 v42, v17;
	v18 =	vadd.f32 v46, v18;
	v19 =	vadd.f32 v47, v19  }
0x126: {  	v49 =	vnsel vm9, $0x0, v36;
	v50 =	vsel vm11, $0x3F800000, v16;
	v51 =	vld [tilespmem:s18+$0xDE0]  }
0x127: {  	vm12 =	vlt.f32 v45, v17;
	v18 =	vadd.f32 v49, v18;
	v19 =	vadd.f32 v50, v19  }
0x128: {  	v54 =	vld [tilespmem:s18+$0xDF0];
	v52 =	vnsel vm10, $0x0, v39;
	v53 =	vsel vm12, $0x3F800000, v16  }
0x129: {  	vm13 =	vlt.f32 v48, v17;
	v18 =	vadd.f32 v52, v18;
	v19 =	vadd.f32 v53, v19  }
0x12a: {  	v55 =	vnsel vm11, $0x0, v42;
	v56 =	vsel vm13, $0x3F800000, v16  }
0x12b: {  	vm14 =	vlt.f32 v51, v17;
	v18 =	vadd.f32 v55, v18;
	v19 =	vadd.f32 v56, v19  }
0x12c: {  	v57 =	vnsel vm12, $0x0, v45;
	v58 =	vsel vm14, $0x3F800000, v16  }
0x12d: {  	vm15 =	vlt.f32 v54, v17;
	v18 =	vadd.f32 v57, v18;
	v19 =	vadd.f32 v58, v19  }
0x12e: {  	v59 =	vnsel vm13, $0x0, v48;
	v60 =	vsel vm15, $0x3F800000, v16  }
0x12f: {  	v18 =	vadd.f32 v59, v18;
	v19 =	vadd.f32 v60, v19  }
0x130: {  	v61 =	vnsel vm14, $0x0, v51  }
0x131: {  	v18 =	vadd.f32 v61, v18;
	v19 =	vsub.f32 $3.072000120e+02, v19  }
0x132: {  	v62 =	vnsel vm15, $0x0, v54  }
0x133: {  	v18 =	vadd.f32 v62, v18;
	v17 =	vmul.f32 v17, v19;
	_ =	sdelay $0x1  }
0x134: {  	v17 =	vadd.f32 v17, v18;
	_ =	sdelay $0x1  }
0x135: {  	v17 =	vmul.f32 $3.255208260e-03, v17;
	_ =	sdelay $0x1  }
0x136: {  	v17 =	vmax.f32 v17, $0.0e+00  }
0x137: {  	v18 =	vshrl.u32 v17, $0x1;
	v19 =	vmul.f32 $5.000000000e-01, v17  }
0x138: {  	v18 =	vsub.s32 $0x5F3759DF, v18  }
0x139: {  	v63 =	vmul.f32 v18, v19;
	_ =	sdelay $0x1  }
0x13a: {  	v20 =	vmul.f32 v18, v63;
	_ =	sdelay $0x1  }
0x13b: {  	v20 =	vsub.f32 $1.500000000e+00, v20;
	_ =	sdelay $0x1  }
0x13c: {  	v18 =	vmul.f32 v18, v20;
	_ =	sdelay $0x1  }
0x13d: {  	v20 =	vmul.f32 v18, v19;
	_ =	sdelay $0x1  }
0x13e: {  	v20 =	vmul.f32 v20, v18;
	_ =	sdelay $0x1  }
0x13f: {  	v20 =	vsub.f32 $1.500000000e+00, v20;
	_ =	sdelay $0x1  }
0x140: {  	v18 =	vmul.f32 v20, v18;
	_ =	sdelay $0x1  }
0x141: {  	v19 =	vmul.f32 v18, v19;
	_ =	sdelay $0x1  }
0x142: {  	v19 =	vmul.f32 v19, v18;
	_ =	sdelay $0x1  }
0x143: {  	s31 =	sshll.u32 s17, $0x4;
	s17 =	sadd.s32 $0x1, s17;
	v19 =	vsub.f32 $1.500000000e+00, v19  }
0x144: {  	p0 =	sne.s32 s17, $0x12  }
.Ltmp4:
0x145: {  	v18 =	vmul.f32 v19, v18;
	(pc) =	sbr.rel @p0 .LBB2_2-.Ltmp4, $4  }
0x146: {  	_ = 	snop  }
0x147: {  	v17 =	vmul.f32 v18, v17  }
0x148: {  	s18 =	sand.u32 $0x3FFFFFF0, s31  }
0x149: {  	[tilespmem:s18+$0x4D00] =	vst v17  }
0x14a: {  	s16 =	sadd.s32 $0x1, s16  }
0x14b: {  	p0 =	sne.s32 s16, s10  }
.Ltmp5:
0x14c: {  	_ = 	snop;
	(pc) =	sbr.rel @p0 .LBB2_1-.Ltmp5, $4  }
0x14d: {  	[hbm4b:s9+s2] =	stream.linear.scatter [tilespmem:s15], [sflag:$0x1], $0x120, $0x38;
	[tilespmem:$0x4E80] =	vst v63  }
0x14e: {  	_ =	swait.ge [sflag:s3], $0x120  }
0x14f: {  	[sflag:s3] =	ssyncset.done $0x0  }
0x150: {  	[sflag:s3] =	ssyncadd.s32 $0xFFFFFEE0  }
0x151: {  	_ =	sfence.sel $0x180000  }
0x152: {  	[bflag:$0x0] =	sbarrier.arrive $0xFFFF  }
0x153: {  	p0 =	sne.s32 s0, $0x0;
	_ =	strace $0x90000047  }
0x154: {  	s0 =	sadd.s32 @!p0 $0x100000, s1;
	[bflag:$0x2] =	sbarrier.arrive $0xFFFF  }
0x155: {  	[sflag:s0] =	ssyncadd.tile.s32 @!p0 $0x1;
	_ =	shalt  }
.Lfunc_end2:
_tile_overlayer_lowered:
.L_overlay_start_2:
0x156: {  	(tag) =	ssettag $0x2  }
0x157: {  	s0 =	rddreg [dreg:$0x0];
	s2 =	stileid.u32  }
0x158: {  	s1 =	rddreg [dreg:$0x1];
	p0 =	sne.s32 s2, $0x0  }
0x159: {  	s3 =	rddreg [dreg:$0x2];
	[bflag:$0x3] =	sbarrier.arrive $0xFFFF;
	s2 =	simm.s32 @!p0 $0x1C01  }
0x15a: {  	[timem:s3], [sflag:s2] =	dma.local @!p0 [hbm:s0], s1  }
0x15b: {  	s0 =	simm.s32 @!p0 $0x1  }
0x15c: {  	_ =	swait.ge @!p0 [sflag:s0], s1  }
0x15d: {  	s1 =	ssub.s32 @!p0 $0x0, s1;
	[sflag:s0] =	ssyncset.done @!p0 $0x0  }
0x15e: {  	[sflag:s0] =	ssyncadd.s32 @!p0 s1  }
0x15f: {  	[bflag:$0x3] =	sbarrier.arrive $0xFFFF  }
0x160: {  	_ =	shalt  }

</sc_bundles>
